<compile_context>
chip_gen: v7x
topology: tpu7x:2x2x1
jax: 0.10.2.dev20260603
libtpu: 0.0.44.dev20260713+nightly
codegen_flags: <defaults>
</compile_context>

<pallas_src>
import jax
import jax.numpy as jnp
from jax import lax
from jax.experimental import pallas as pl
from jax.experimental.pallas import tpu as pltpu
from jax.experimental.pallas import tpu_sc as plsc

N = 10000
E = 320000
D = 128
H = 128
G = 64

NC = 2
NS = 16
NW = NC * NS
EP = E // NW
N_PAD = 10240
RPS = N_PAD // NS
BLK = 2000
NBLK = N // BLK

W_DEG = 8
KD = 100
IBD = 20
NSBD = EP // (IBD * KD)

KS = 64
IB = 40
NSB = 4
ET_PAD = NSB * IB * KS
E_PAD = NW * ET_PAD
NPADR = N_PAD - N
NB = 4
F_G = 3
Q_S = 1

_MESH = plsc.VectorSubcoreMesh(
    core_axis_name="c", subcore_axis_name="s", num_cores=NC, num_subcores=NS
)


def _sc_deg_body(dst_hbm, ones_hbm, zeros_hbm, out_hbm, deg_sh, idx_d2, ones_v,
                 semd):
    c = lax.axis_index("c")
    s = lax.axis_index("s")
    wid = s * NC + c
    pltpu.sync_copy(zeros_hbm, deg_sh.at[pl.ds(s * RPS, RPS)])
    pltpu.sync_copy(ones_hbm, ones_v)
    plsc.subcore_barrier()

    def superblock(sb, carry):
        pltpu.sync_copy(dst_hbm.at[wid, sb], idx_d2)

        def body(j, c2):
            pltpu.async_copy(ones_v, deg_sh.at[idx_d2.at[j]], semd, add=True)

            @pl.when(j >= W_DEG)
            def _():
                pltpu.make_async_copy(ones_v, deg_sh.at[idx_d2.at[0]],
                                      semd).wait()

            return c2

        lax.fori_loop(0, IBD, body, 0)

        def drain(j, c2):
            pltpu.make_async_copy(ones_v, deg_sh.at[idx_d2.at[0]], semd).wait()
            return c2

        lax.fori_loop(0, W_DEG, drain, 0)
        return carry

    lax.fori_loop(0, NSBD, superblock, 0)
    plsc.subcore_barrier()
    pltpu.sync_copy(deg_sh.at[pl.ds(s * RPS, RPS)],
                    out_hbm.at[c, pl.ds(s * RPS, RPS)])


_sc_deg = pl.kernel(
    _sc_deg_body,
    out_type=jax.ShapeDtypeStruct((NC, N_PAD), jnp.float32),
    mesh=_MESH,
    scratch_types=[
        pltpu.VMEM_SHARED((N_PAD,), jnp.float32),
        pltpu.VMEM((IBD, KD), jnp.int32),
        pltpu.VMEM((KD,), jnp.float32),
        pltpu.SemaphoreType.DMA,
    ],
)


def _sc_scatter_body(hs_hbm, src_hbm, dst_hbm, zrows_hbm, out_hbm,
                     acc_sh, idx_s2, idx_d2, rows_v, *sems_flat):
    semg = sems_flat[:NB]
    sems = sems_flat[NB:]
    c = lax.axis_index("c")
    s = lax.axis_index("s")
    wid = s * NC + c
    @pl.when(c == 0)
    def _():
        pltpu.sync_copy(hs_hbm.at[pl.ds(s * RPS, RPS)],
                        acc_sh.at[pl.ds(s * RPS, RPS)])

    @pl.when(c != 0)
    def _():
        pltpu.sync_copy(zrows_hbm, acc_sh.at[pl.ds(s * RPS, RPS)])

    plsc.subcore_barrier()

    def superblock(sb, carry):
        pltpu.sync_copy(src_hbm.at[wid, sb], idx_s2)
        pltpu.sync_copy(dst_hbm.at[wid, sb], idx_d2)
        for b in range(F_G):
            pltpu.async_copy(hs_hbm.at[idx_s2.at[b]], rows_v.at[b], semg[b])

        def inner(o, c2):
            for b in range(NB):
                j = o * NB + b
                pltpu.make_async_copy(hs_hbm.at[idx_s2.at[b]], rows_v.at[b],
                                      semg[b]).wait()
                pltpu.async_copy(rows_v.at[b], acc_sh.at[idx_d2.at[j]],
                                 sems[b], add=True)
                bq = (b + NB - Q_S) % NB

                @pl.when(j >= Q_S)
                def _():
                    pltpu.make_async_copy(rows_v.at[bq],
                                          acc_sh.at[idx_d2.at[j]],
                                          sems[bq]).wait()

                @pl.when(j + F_G < IB)
                def _():
                    pltpu.async_copy(hs_hbm.at[idx_s2.at[j + F_G]],
                                     rows_v.at[bq], semg[bq])

            return c2

        lax.fori_loop(0, IB // NB, inner, 0)
        for j in range(IB - Q_S, IB):
            pltpu.make_async_copy(rows_v.at[j % NB], acc_sh.at[idx_d2.at[0]],
                                  sems[j % NB]).wait()
        return carry

    lax.fori_loop(0, NSB, superblock, 0)
    plsc.subcore_barrier()
    pltpu.sync_copy(acc_sh.at[pl.ds(s * RPS, RPS)],
                    out_hbm.at[c, pl.ds(s * RPS, RPS)])


_sc_scatter = pl.kernel(
    _sc_scatter_body,
    out_type=jax.ShapeDtypeStruct((NC, N_PAD, H), jnp.float32),
    mesh=_MESH,
    scratch_types=[
        pltpu.VMEM_SHARED((N_PAD, H), jnp.float32),
        pltpu.VMEM((IB, KS), jnp.int32),
        pltpu.VMEM((IB, KS), jnp.int32),
        pltpu.VMEM((NB, KS, H), jnp.float32),
    ] + [pltpu.SemaphoreType.DMA] * (2 * NB),
)


def _h_body(x_ref, w_ref, b_ref, h_ref):
    h_ref[...] = jnp.dot(x_ref[...], w_ref[...],
                         preferred_element_type=jnp.float32) + b_ref[...]


_h_call = pl.pallas_call(
    _h_body,
    grid=(NBLK,),
    in_specs=[
        pl.BlockSpec((BLK, D), lambda i: (i, 0)),
        pl.BlockSpec((D, H), lambda i: (0, 0)),
        pl.BlockSpec((1, H), lambda i: (0, 0)),
    ],
    out_specs=pl.BlockSpec((BLK, H), lambda i: (i, 0)),
    out_shape=jax.ShapeDtypeStruct((N, H), jnp.float32),
)


def _scale_body(h_ref, d0_ref, d1_ref, hs_ref, dinv_ref):
    deg = d0_ref[...] + d1_ref[...] + 1.0
    dinv = lax.rsqrt(deg)
    hs_ref[...] = h_ref[...] * dinv
    dinv_ref[...] = dinv


_scale_call = pl.pallas_call(
    _scale_body,
    grid=(NBLK,),
    in_specs=[
        pl.BlockSpec((BLK, H), lambda i: (i, 0)),
        pl.BlockSpec((BLK, 1), lambda i: (i, 0)),
        pl.BlockSpec((BLK, 1), lambda i: (i, 0)),
    ],
    out_specs=[
        pl.BlockSpec((BLK, H), lambda i: (i, 0)),
        pl.BlockSpec((BLK, 1), lambda i: (i, 0)),
    ],
    out_shape=[
        jax.ShapeDtypeStruct((N_PAD, H), jnp.float32),
        jax.ShapeDtypeStruct((N, 1), jnp.float32),
    ],
)


def _final_body(a0_ref, a1_ref, dinv_ref, bi_ref, wfc_ref, bfc_ref,
                out_ref, sums_ref, cnts_ref):
    i = pl.program_id(0)

    @pl.when(i == 0)
    def _():
        sums_ref[...] = jnp.zeros_like(sums_ref)
        cnts_ref[...] = jnp.zeros_like(cnts_ref)

    node = jnp.maximum((a0_ref[...] + a1_ref[...]) * dinv_ref[...], 0.0)
    onehot = (bi_ref[...] == lax.broadcasted_iota(jnp.int32, (1, G), 1))
    onehot = onehot.astype(jnp.float32)
    sums_ref[...] += lax.dot_general(
        onehot, node, (((0,), (0,)), ((), ())),
        preferred_element_type=jnp.float32)
    cnts_ref[...] += lax.dot_general(
        onehot, jnp.ones_like(node), (((0,), (0,)), ((), ())),
        preferred_element_type=jnp.float32)

    @pl.when(i == NBLK - 1)
    def _():
        pooled = sums_ref[...] / jnp.maximum(cnts_ref[...], 1.0)
        logits = jnp.dot(pooled, wfc_ref[...],
                         preferred_element_type=jnp.float32) + bfc_ref[...]
        m = jnp.max(logits, axis=-1, keepdims=True)
        lse = m + jnp.log(jnp.sum(jnp.exp(logits - m), axis=-1, keepdims=True))
        out_ref[...] = logits - lse


_final_call = pl.pallas_call(
    _final_body,
    grid=(NBLK,),
    in_specs=[
        pl.BlockSpec((BLK, H), lambda i: (i, 0)),
        pl.BlockSpec((BLK, H), lambda i: (i, 0)),
        pl.BlockSpec((BLK, 1), lambda i: (i, 0)),
        pl.BlockSpec((BLK, 1), lambda i: (i, 0)),
        pl.BlockSpec((H, 2), lambda i: (0, 0)),
        pl.BlockSpec((1, 2), lambda i: (0, 0)),
    ],
    out_specs=pl.BlockSpec((G, 2), lambda i: (0, 0)),
    out_shape=jax.ShapeDtypeStruct((G, 2), jnp.float32),
    scratch_shapes=[
        pltpu.VMEM((G, H), jnp.float32),
        pltpu.VMEM((G, H), jnp.float32),
    ],
)


def kernel(x, edge_index, batch_idx, W1, b1, Wfc, bfc):
    dst_deg = edge_index[1].reshape(NW, NSBD, IBD, KD)
    pad_rows = N + jnp.arange(E_PAD - E, dtype=jnp.int32) % NPADR
    src_t = jnp.concatenate([edge_index[0], pad_rows]).reshape(
        NW, NSB, IB, KS)
    dst_t = jnp.concatenate([edge_index[1], pad_rows]).reshape(
        NW, NSB, IB, KS)
    bi = batch_idx.reshape(N, 1)
    ones_k = jnp.ones((KD,), jnp.float32)
    zeros_r = jnp.zeros((RPS,), jnp.float32)
    zrows = jnp.zeros((RPS, H), jnp.float32)

    h = _h_call(x, W1, b1.reshape(1, H))
    deg_parts = _sc_deg(dst_deg, ones_k, zeros_r)
    d0 = deg_parts[0, :N].reshape(N, 1)
    d1 = deg_parts[1, :N].reshape(N, 1)
    hs, dinv = _scale_call(h, d0, d1)
    acc = _sc_scatter(hs, src_t, dst_t, zrows)
    return _final_call(acc[0], acc[1], dinv, bi, Wfc,
                       bfc.reshape(1, 2))

# --- scband reference (transcript-rebuilt; emitter-appended) ---
"""Pipeline reference for scband-crystal-gnn-81406810129006 (READ-ONLY COPY).

The authoritative reference and input builder live on the scoring server;
editing this copy changes nothing except your own understanding.
"""

import jax, jax.numpy as jnp
import numpy as np

N = 10000
E = 320000
D = 128
H = 128
G = 64


def setup_inputs(seed: int = 0) -> dict:
    key = jax.random.key(seed)
    k1, k2, k3, k4, k5 = jax.random.split(key, 5)
    x = jax.random.normal(k1, (N, D), dtype=jnp.float32)
    edge_index = jax.random.randint(k2, (2, E), 0, N, dtype=jnp.int32)
    batch_idx = jnp.sort(jax.random.randint(k3, (N,), 0, G, dtype=jnp.int32))
    W1 = jax.random.normal(k4, (D, H), dtype=jnp.float32) * 0.05
    b1 = jnp.zeros((H,), dtype=jnp.float32)
    Wfc = jax.random.normal(k5, (H, 2), dtype=jnp.float32) * 0.05
    bfc = jnp.zeros((2,), dtype=jnp.float32)
    return {"x": x, "edge_index": edge_index, "batch_idx": batch_idx, "W1": W1, "b1": b1, "Wfc": Wfc, "bfc": bfc}


def gcn_conv(x, edge_index, W, b, num_nodes):
    # GCNConv: linear transform, then symmetric-normalized aggregation with self-loops
    src = edge_index[0]
    dst = edge_index[1]
    loop = jnp.arange(num_nodes, dtype=src.dtype)
    src = jnp.concatenate([src, loop], axis=0)
    dst = jnp.concatenate([dst, loop], axis=0)
    deg = jnp.zeros((num_nodes,), dtype=jnp.float32).at[dst].add(1.0)
    dinv = jnp.where(deg > 0, deg ** -0.5, 0.0)
    norm = dinv[src] * dinv[dst]
    h = x @ W + b
    msg = h[src] * norm[:, None]
    out = jnp.zeros((num_nodes, h.shape[1]), dtype=h.dtype).at[dst].add(msg)
    return out


def reference(x, edge_index, batch_idx, W1, b1, Wfc, bfc):
    h = gcn_conv(x, edge_index, W1, b1, N)
    h = jax.nn.relu(h)
    # dropout p=0.5 is identity in eval mode
    counts = jnp.zeros((G,), dtype=jnp.float32).at[batch_idx].add(1.0)
    sums = jax.ops.segment_sum(h, batch_idx, num_segments=G)
    pooled = sums / jnp.maximum(counts, 1.0)[:, None]
    out = pooled @ Wfc + bfc
    return jax.nn.log_softmax(out, axis=-1)

if __name__ == "__main__":
    import jax
    _d = setup_inputs()
    print(jax.jit(kernel)(*tuple(_d.values())))

</pallas_src>

<mosaic_0001>
#map = affine_map<(d0, d1) -> (0, 0, 0, 0)>
#map1 = affine_map<(d0, d1) -> (0)>
#map2 = affine_map<(d0, d1) -> (0, 0)>
module attributes {stable_mosaic.version = 14 : i64} {
  func.func @_sc_deg_body(%arg0: i32, %arg1: i32, %arg2: memref<32x5x20x100xi32, #tpu.memory_space<hbm>>, %arg3: memref<100xf32, #tpu.memory_space<hbm>>, %arg4: memref<640xf32, #tpu.memory_space<hbm>>, %arg5: memref<2x10240xf32, #tpu.memory_space<hbm>>, %arg6: memref<10240xf32, #tpu.memory_space<vmem_shared>>, %arg7: memref<20x100xi32, #tpu.memory_space<vmem>>, %arg8: memref<100xf32, #tpu.memory_space<vmem>>, %arg9: memref<!tpu.dma_semaphore, #tpu.memory_space<semaphore_mem>>) attributes {dimension_semantics = [#tpu.dimension_semantics<core_parallel>, #tpu.dimension_semantics<subcore_parallel>], iteration_bounds = array<i64: 2, 16>, scalar_prefetch = 0 : i64, scratch_operands = 4 : i64, tpu.core_type = #tpu.core_type<sc_vector_subcore>, window_params = [{transform_indices = #map}, {transform_indices = #map1}, {transform_indices = #map1}, {transform_indices = #map2}]} {
    %mul3A = arith.constant 2 : i32
    %mul3A_0 = arith.muli %arg1, %mul3A : i32
    %add3A = arith.addi %mul3A_0, %arg0 : i32
    %mul3A_1 = arith.constant 640 : i32
    %mul3A_2 = arith.muli %arg1, %mul3A_1 : i32
    "tpu.region"() ({
      %run_scoped3A = tpu.sem_alloc : memref<!tpu.dma_semaphore, #tpu.memory_space<semaphore_mem>>
      %dma_start3A = tpu.memref_slice %arg6[%mul3A_2] : memref<10240xf32, #tpu.memory_space<vmem_shared>> -> memref<640xf32, #tpu.memory_space<vmem_shared>>
      tpu.enqueue_dma source(%arg4 : memref<640xf32, #tpu.memory_space<hbm>>) target(%dma_start3A : memref<640xf32, #tpu.memory_space<vmem_shared>>) target_semaphore(%run_scoped3A : memref<!tpu.dma_semaphore, #tpu.memory_space<semaphore_mem>>)
      %dma_wait3A = tpu.memref_slice %arg6[%mul3A_2] : memref<10240xf32, #tpu.memory_space<vmem_shared>> -> memref<640xf32, #tpu.memory_space<vmem_shared>>
      tpu.wait_dma2 semaphore(%run_scoped3A : memref<!tpu.dma_semaphore, #tpu.memory_space<semaphore_mem>>) src(%arg4 : memref<640xf32, #tpu.memory_space<hbm>>) dst(%dma_wait3A : memref<640xf32, #tpu.memory_space<vmem_shared>>)
      tpu.yield
    }) : () -> ()
    "tpu.region"() ({
      %run_scoped3A = tpu.sem_alloc : memref<!tpu.dma_semaphore, #tpu.memory_space<semaphore_mem>>
      tpu.enqueue_dma source(%arg3 : memref<100xf32, #tpu.memory_space<hbm>>) target(%arg8 : memref<100xf32, #tpu.memory_space<vmem>>) target_semaphore(%run_scoped3A : memref<!tpu.dma_semaphore, #tpu.memory_space<semaphore_mem>>)
      tpu.wait_dma2 semaphore(%run_scoped3A : memref<!tpu.dma_semaphore, #tpu.memory_space<semaphore_mem>>) src(%arg3 : memref<100xf32, #tpu.memory_space<hbm>>) dst(%arg8 : memref<100xf32, #tpu.memory_space<vmem>>)
      tpu.yield
    }) : () -> ()
    %barrier3A = arith.constant 0 : index
    tpu.barrier barrier_id(%barrier3A)
    %scan3A = arith.constant 0 : i32
    %scan3A_3 = arith.constant 0 : i32
    %scan3A_4 = arith.constant 5 : i32
    %scan3A_5 = arith.addi %scan3A_3, %scan3A_4 : i32
    %scan3A_6 = arith.constant 1 : i32
    scf.for %scan3A_13 = %scan3A_3 to %scan3A_5 step %scan3A_6  : i32 {
      "tpu.region"() ({
        %run_scoped3A = tpu.sem_alloc : memref<!tpu.dma_semaphore, #tpu.memory_space<semaphore_mem>>
        %dma_start3A = arith.constant 0 : i32
        %dma_start3A_26 = arith.constant 0 : i32
        %dma_start3A_27 = tpu.memref_slice %arg2[%add3A, %scan3A_13, %dma_start3A, %dma_start3A_26] : memref<32x5x20x100xi32, #tpu.memory_space<hbm>> -> memref<1x1x20x100xi32, #tpu.memory_space<hbm>>
        %dma_start3A_28 = tpu.memref_squeeze %dma_start3A_27 : memref<1x1x20x100xi32, #tpu.memory_space<hbm>> -> memref<20x100xi32, #tpu.memory_space<hbm>>
        %dma_start3A_29 = arith.constant 0 : i32
        %dma_start3A_30 = arith.constant 0 : i32
        %dma_start3A_31 = tpu.memref_slice %arg2[%add3A, %scan3A_13, %dma_start3A_29, %dma_start3A_30] : memref<32x5x20x100xi32, #tpu.memory_space<hbm>> -> memref<1x1x20x100xi32, #tpu.memory_space<hbm>>
        %dma_start3A_32 = tpu.memref_squeeze %dma_start3A_31 : memref<1x1x20x100xi32, #tpu.memory_space<hbm>> -> memref<20x100xi32, #tpu.memory_space<hbm>>
        tpu.enqueue_dma source(%dma_start3A_32 : memref<20x100xi32, #tpu.memory_space<hbm>>) target(%arg7 : memref<20x100xi32, #tpu.memory_space<vmem>>) target_semaphore(%run_scoped3A : memref<!tpu.dma_semaphore, #tpu.memory_space<semaphore_mem>>)
        %dma_wait3A = arith.constant 0 : i32
        %dma_wait3A_33 = arith.constant 0 : i32
        %dma_wait3A_34 = tpu.memref_slice %arg2[%add3A, %scan3A_13, %dma_wait3A, %dma_wait3A_33] : memref<32x5x20x100xi32, #tpu.memory_space<hbm>> -> memref<1x1x20x100xi32, #tpu.memory_space<hbm>>
        %dma_wait3A_35 = tpu.memref_squeeze %dma_wait3A_34 : memref<1x1x20x100xi32, #tpu.memory_space<hbm>> -> memref<20x100xi32, #tpu.memory_space<hbm>>
        %dma_wait3A_36 = arith.constant 0 : i32
        %dma_wait3A_37 = arith.constant 0 : i32
        %dma_wait3A_38 = tpu.memref_slice %arg2[%add3A, %scan3A_13, %dma_wait3A_36, %dma_wait3A_37] : memref<32x5x20x100xi32, #tpu.memory_space<hbm>> -> memref<1x1x20x100xi32, #tpu.memory_space<hbm>>
        %dma_wait3A_39 = tpu.memref_squeeze %dma_wait3A_38 : memref<1x1x20x100xi32, #tpu.memory_space<hbm>> -> memref<20x100xi32, #tpu.memory_space<hbm>>
        tpu.wait_dma2 semaphore(%run_scoped3A : memref<!tpu.dma_semaphore, #tpu.memory_space<semaphore_mem>>) src(%dma_wait3A_39 : memref<20x100xi32, #tpu.memory_space<hbm>>) dst(%arg7 : memref<20x100xi32, #tpu.memory_space<vmem>>)
        tpu.yield
      }) : () -> ()
      %scan3A_14 = arith.constant 0 : i32
      %scan3A_15 = arith.constant 0 : i32
      %scan3A_16 = arith.constant 20 : i32
      %scan3A_17 = arith.addi %scan3A_15, %scan3A_16 : i32
      %scan3A_18 = arith.constant 1 : i32
      scf.for %scan3A_26 = %scan3A_15 to %scan3A_17 step %scan3A_18  : i32 {
        %dma_start3A = arith.constant 0 : i32
        %dma_start3A_27 = tpu.memref_slice %arg7[%scan3A_26, %dma_start3A] : memref<20x100xi32, #tpu.memory_space<vmem>> -> memref<1x100xi32, #tpu.memory_space<vmem>>
        %dma_start3A_28 = tpu.memref_squeeze %dma_start3A_27 : memref<1x100xi32, #tpu.memory_space<vmem>> -> memref<100xi32, #tpu.memory_space<vmem>>
        %dma_start3A_29 = arith.constant 0 : i32
        %dma_start3A_30 = tpu.memref_slice %arg6[%dma_start3A_29] : memref<10240xf32, #tpu.memory_space<vmem_shared>> -> memref<10240xf32, #tpu.memory_space<vmem_shared>>
        tpu.enqueue_indirect_dma source(%arg8 : memref<100xf32, #tpu.memory_space<vmem>>) target(%dma_start3A_30 : memref<10240xf32, #tpu.memory_space<vmem_shared>>) offsets(%dma_start3A_28 : memref<100xi32, #tpu.memory_space<vmem>>) semaphore(%arg9 : memref<!tpu.dma_semaphore, #tpu.memory_space<semaphore_mem>>) {add = true}
        %ge3A = arith.constant 8 : i32
        %ge3A_31 = arith.cmpi sge, %scan3A_26, %ge3A : i32
        %convert_element_type3A = arith.extui %ge3A_31 : i1 to i32
        %cond3A = arith.constant 0 : i32
        %cond3A_32 = arith.cmpi ne, %convert_element_type3A, %cond3A : i32
        scf.if %cond3A_32 {
          %dma_wait3A = arith.constant 0 : i32
          %dma_wait3A_33 = arith.constant 0 : i32
          %dma_wait3A_34 = tpu.memref_slice %arg7[%dma_wait3A, %dma_wait3A_33] : memref<20x100xi32, #tpu.memory_space<vmem>> -> memref<1x100xi32, #tpu.memory_space<vmem>>
          %dma_wait3A_35 = tpu.memref_squeeze %dma_wait3A_34 : memref<1x100xi32, #tpu.memory_space<vmem>> -> memref<100xi32, #tpu.memory_space<vmem>>
          %dma_wait3A_36 = arith.constant 0 : i32
          %dma_wait3A_37 = tpu.memref_slice %arg6[%dma_wait3A_36] : memref<10240xf32, #tpu.memory_space<vmem_shared>> -> memref<10240xf32, #tpu.memory_space<vmem_shared>>
          tpu.wait_indirect_dma semaphore(%arg9 : memref<!tpu.dma_semaphore, #tpu.memory_space<semaphore_mem>>) src(%arg8 : memref<100xf32, #tpu.memory_space<vmem>>) dst(%dma_wait3A_37 : memref<10240xf32, #tpu.memory_space<vmem_shared>>)
        } else {
        }
      }
      %scan3A_19 = arith.constant 20 : i32
      %scan3A_20 = arith.constant 0 : i32
      %scan3A_21 = arith.constant 0 : i32
      %scan3A_22 = arith.constant 8 : i32
      %scan3A_23 = arith.addi %scan3A_21, %scan3A_22 : i32
      %scan3A_24 = arith.constant 1 : i32
      scf.for %scan3A_26 = %scan3A_21 to %scan3A_23 step %scan3A_24  : i32 {
        %dma_wait3A = arith.constant 0 : i32
        %dma_wait3A_27 = arith.constant 0 : i32
        %dma_wait3A_28 = tpu.memref_slice %arg7[%dma_wait3A, %dma_wait3A_27] : memref<20x100xi32, #tpu.memory_space<vmem>> -> memref<1x100xi32, #tpu.memory_space<vmem>>
        %dma_wait3A_29 = tpu.memref_squeeze %dma_wait3A_28 : memref<1x100xi32, #tpu.memory_space<vmem>> -> memref<100xi32, #tpu.memory_space<vmem>>
        %dma_wait3A_30 = arith.constant 0 : i32
        %dma_wait3A_31 = tpu.memref_slice %arg6[%dma_wait3A_30] : memref<10240xf32, #tpu.memory_space<vmem_shared>> -> memref<10240xf32, #tpu.memory_space<vmem_shared>>
        tpu.wait_indirect_dma semaphore(%arg9 : memref<!tpu.dma_semaphore, #tpu.memory_space<semaphore_mem>>) src(%arg8 : memref<100xf32, #tpu.memory_space<vmem>>) dst(%dma_wait3A_31 : memref<10240xf32, #tpu.memory_space<vmem_shared>>)
      }
      %scan3A_25 = arith.constant 8 : i32
    }
    %scan3A_7 = arith.constant 5 : i32
    %barrier3A_8 = arith.constant 0 : index
    tpu.barrier barrier_id(%barrier3A_8)
    %mul3A_9 = arith.constant 640 : i32
    %mul3A_10 = arith.muli %arg1, %mul3A_9 : i32
    %mul3A_11 = arith.constant 640 : i32
    %mul3A_12 = arith.muli %arg1, %mul3A_11 : i32
    "tpu.region"() ({
      %run_scoped3A = tpu.sem_alloc : memref<!tpu.dma_semaphore, #tpu.memory_space<semaphore_mem>>
      %dma_start3A = tpu.memref_slice %arg5[%arg0, %mul3A_12] : memref<2x10240xf32, #tpu.memory_space<hbm>> -> memref<1x640xf32, #tpu.memory_space<hbm>>
      %dma_start3A_13 = tpu.memref_squeeze %dma_start3A : memref<1x640xf32, #tpu.memory_space<hbm>> -> memref<640xf32, #tpu.memory_space<hbm>>
      %dma_start3A_14 = tpu.memref_slice %arg6[%mul3A_10] : memref<10240xf32, #tpu.memory_space<vmem_shared>> -> memref<640xf32, #tpu.memory_space<vmem_shared>>
      tpu.enqueue_dma source(%dma_start3A_14 : memref<640xf32, #tpu.memory_space<vmem_shared>>) target(%dma_start3A_13 : memref<640xf32, #tpu.memory_space<hbm>>) target_semaphore(%run_scoped3A : memref<!tpu.dma_semaphore, #tpu.memory_space<semaphore_mem>>)
      %dma_wait3A = tpu.memref_slice %arg5[%arg0, %mul3A_12] : memref<2x10240xf32, #tpu.memory_space<hbm>> -> memref<1x640xf32, #tpu.memory_space<hbm>>
      %dma_wait3A_15 = tpu.memref_squeeze %dma_wait3A : memref<1x640xf32, #tpu.memory_space<hbm>> -> memref<640xf32, #tpu.memory_space<hbm>>
      %dma_wait3A_16 = tpu.memref_slice %arg6[%mul3A_10] : memref<10240xf32, #tpu.memory_space<vmem_shared>> -> memref<640xf32, #tpu.memory_space<vmem_shared>>
      tpu.wait_dma2 semaphore(%run_scoped3A : memref<!tpu.dma_semaphore, #tpu.memory_space<semaphore_mem>>) src(%dma_wait3A_16 : memref<640xf32, #tpu.memory_space<vmem_shared>>) dst(%dma_wait3A_15 : memref<640xf32, #tpu.memory_space<hbm>>)
      tpu.yield
    }) : () -> ()
    return
  }
}

#map = affine_map<(d0, d1) -> (0, 0)>
#map1 = affine_map<(d0, d1) -> (0, 0, 0, 0)>
#map2 = affine_map<(d0, d1) -> (0, 0, 0)>
module attributes {stable_mosaic.version = 14 : i64} {
  func.func @_sc_scatter_body(%arg0: i32, %arg1: i32, %arg2: memref<10240x128xf32, #tpu.memory_space<hbm>>, %arg3: memref<32x4x40x64xi32, #tpu.memory_space<hbm>>, %arg4: memref<32x4x40x64xi32, #tpu.memory_space<hbm>>, %arg5: memref<640x128xf32, #tpu.memory_space<hbm>>, %arg6: memref<2x10240x128xf32, #tpu.memory_space<hbm>>, %arg7: memref<10240x128xf32, #tpu.memory_space<vmem_shared>>, %arg8: memref<40x64xi32, #tpu.memory_space<vmem>>, %arg9: memref<40x64xi32, #tpu.memory_space<vmem>>, %arg10: memref<4x64x128xf32, #tpu.memory_space<vmem>>, %arg11: memref<!tpu.dma_semaphore, #tpu.memory_space<semaphore_mem>>, %arg12: memref<!tpu.dma_semaphore, #tpu.memory_space<semaphore_mem>>, %arg13: memref<!tpu.dma_semaphore, #tpu.memory_space<semaphore_mem>>, %arg14: memref<!tpu.dma_semaphore, #tpu.memory_space<semaphore_mem>>, %arg15: memref<!tpu.dma_semaphore, #tpu.memory_space<semaphore_mem>>, %arg16: memref<!tpu.dma_semaphore, #tpu.memory_space<semaphore_mem>>, %arg17: memref<!tpu.dma_semaphore, #tpu.memory_space<semaphore_mem>>, %arg18: memref<!tpu.dma_semaphore, #tpu.memory_space<semaphore_mem>>) attributes {dimension_semantics = [#tpu.dimension_semantics<core_parallel>, #tpu.dimension_semantics<subcore_parallel>], iteration_bounds = array<i64: 2, 16>, scalar_prefetch = 0 : i64, scratch_operands = 12 : i64, tpu.core_type = #tpu.core_type<sc_vector_subcore>, window_params = [{transform_indices = #map}, {transform_indices = #map1}, {transform_indices = #map1}, {transform_indices = #map}, {transform_indices = #map2}]} {
    %mul3A = arith.constant 2 : i32
    %mul3A_0 = arith.muli %arg1, %mul3A : i32
    %add3A = arith.addi %mul3A_0, %arg0 : i32
    %eq3A = arith.constant 0 : i32
    %eq3A_1 = arith.cmpi eq, %arg0, %eq3A : i32
    %convert_element_type3A = arith.extui %eq3A_1 : i1 to i32
    %cond3A = arith.constant 0 : i32
    %cond3A_2 = arith.cmpi ne, %convert_element_type3A, %cond3A : i32
    scf.if %cond3A_2 {
      %mul3A_17 = arith.constant 640 : i32
      %mul3A_18 = arith.muli %arg1, %mul3A_17 : i32
      %mul3A_19 = arith.constant 640 : i32
      %mul3A_20 = arith.muli %arg1, %mul3A_19 : i32
      "tpu.region"() ({
        %run_scoped3A = tpu.sem_alloc : memref<!tpu.dma_semaphore, #tpu.memory_space<semaphore_mem>>
        %dma_start3A = arith.constant 0 : i32
        %dma_start3A_21 = tpu.memref_slice %arg7[%mul3A_20, %dma_start3A] : memref<10240x128xf32, #tpu.memory_space<vmem_shared>> -> memref<640x128xf32, #tpu.memory_space<vmem_shared>>
        %dma_start3A_22 = arith.constant 0 : i32
        %dma_start3A_23 = tpu.memref_slice %arg2[%mul3A_18, %dma_start3A_22] : memref<10240x128xf32, #tpu.memory_space<hbm>> -> memref<640x128xf32, #tpu.memory_space<hbm>>
        tpu.enqueue_dma source(%dma_start3A_23 : memref<640x128xf32, #tpu.memory_space<hbm>>) target(%dma_start3A_21 : memref<640x128xf32, #tpu.memory_space<vmem_shared>>) target_semaphore(%run_scoped3A : memref<!tpu.dma_semaphore, #tpu.memory_space<semaphore_mem>>)
        %dma_wait3A = arith.constant 0 : i32
        %dma_wait3A_24 = tpu.memref_slice %arg7[%mul3A_20, %dma_wait3A] : memref<10240x128xf32, #tpu.memory_space<vmem_shared>> -> memref<640x128xf32, #tpu.memory_space<vmem_shared>>
        %dma_wait3A_25 = arith.constant 0 : i32
        %dma_wait3A_26 = tpu.memref_slice %arg2[%mul3A_18, %dma_wait3A_25] : memref<10240x128xf32, #tpu.memory_space<hbm>> -> memref<640x128xf32, #tpu.memory_space<hbm>>
        tpu.wait_dma2 semaphore(%run_scoped3A : memref<!tpu.dma_semaphore, #tpu.memory_space<semaphore_mem>>) src(%dma_wait3A_26 : memref<640x128xf32, #tpu.memory_space<hbm>>) dst(%dma_wait3A_24 : memref<640x128xf32, #tpu.memory_space<vmem_shared>>)
        tpu.yield
      }) : () -> ()
    } else {
    }
    %ne3A = arith.constant 0 : i32
    %ne3A_3 = arith.cmpi ne, %arg0, %ne3A : i32
    %convert_element_type3A_4 = arith.extui %ne3A_3 : i1 to i32
    %cond3A_5 = arith.constant 0 : i32
    %cond3A_6 = arith.cmpi ne, %convert_element_type3A_4, %cond3A_5 : i32
    scf.if %cond3A_6 {
      %mul3A_17 = arith.constant 640 : i32
      %mul3A_18 = arith.muli %arg1, %mul3A_17 : i32
      "tpu.region"() ({
        %run_scoped3A = tpu.sem_alloc : memref<!tpu.dma_semaphore, #tpu.memory_space<semaphore_mem>>
        %dma_start3A = arith.constant 0 : i32
        %dma_start3A_19 = tpu.memref_slice %arg7[%mul3A_18, %dma_start3A] : memref<10240x128xf32, #tpu.memory_space<vmem_shared>> -> memref<640x128xf32, #tpu.memory_space<vmem_shared>>
        tpu.enqueue_dma source(%arg5 : memref<640x128xf32, #tpu.memory_space<hbm>>) target(%dma_start3A_19 : memref<640x128xf32, #tpu.memory_space<vmem_shared>>) target_semaphore(%run_scoped3A : memref<!tpu.dma_semaphore, #tpu.memory_space<semaphore_mem>>)
        %dma_wait3A = arith.constant 0 : i32
        %dma_wait3A_20 = tpu.memref_slice %arg7[%mul3A_18, %dma_wait3A] : memref<10240x128xf32, #tpu.memory_space<vmem_shared>> -> memref<640x128xf32, #tpu.memory_space<vmem_shared>>
        tpu.wait_dma2 semaphore(%run_scoped3A : memref<!tpu.dma_semaphore, #tpu.memory_space<semaphore_mem>>) src(%arg5 : memref<640x128xf32, #tpu.memory_space<hbm>>) dst(%dma_wait3A_20 : memref<640x128xf32, #tpu.memory_space<vmem_shared>>)
        tpu.yield
      }) : () -> ()
    } else {
    }
    %barrier3A = arith.constant 0 : index
    tpu.barrier barrier_id(%barrier3A)
    %scan3A = arith.constant 0 : i32
    %scan3A_7 = arith.constant 0 : i32
    %scan3A_8 = arith.constant 4 : i32
    %scan3A_9 = arith.addi %scan3A_7, %scan3A_8 : i32
    %scan3A_10 = arith.constant 1 : i32
    scf.for %scan3A_17 = %scan3A_7 to %scan3A_9 step %scan3A_10  : i32 {
      "tpu.region"() ({
        %run_scoped3A = tpu.sem_alloc : memref<!tpu.dma_semaphore, #tpu.memory_space<semaphore_mem>>
        %dma_start3A_70 = arith.constant 0 : i32
        %dma_start3A_71 = arith.constant 0 : i32
        %dma_start3A_72 = tpu.memref_slice %arg3[%add3A, %scan3A_17, %dma_start3A_70, %dma_start3A_71] : memref<32x4x40x64xi32, #tpu.memory_space<hbm>> -> memref<1x1x40x64xi32, #tpu.memory_space<hbm>>
        %dma_start3A_73 = tpu.memref_squeeze %dma_start3A_72 : memref<1x1x40x64xi32, #tpu.memory_space<hbm>> -> memref<40x64xi32, #tpu.memory_space<hbm>>
        %dma_start3A_74 = arith.constant 0 : i32
        %dma_start3A_75 = arith.constant 0 : i32
        %dma_start3A_76 = tpu.memref_slice %arg3[%add3A, %scan3A_17, %dma_start3A_74, %dma_start3A_75] : memref<32x4x40x64xi32, #tpu.memory_space<hbm>> -> memref<1x1x40x64xi32, #tpu.memory_space<hbm>>
        %dma_start3A_77 = tpu.memref_squeeze %dma_start3A_76 : memref<1x1x40x64xi32, #tpu.memory_space<hbm>> -> memref<40x64xi32, #tpu.memory_space<hbm>>
        tpu.enqueue_dma source(%dma_start3A_77 : memref<40x64xi32, #tpu.memory_space<hbm>>) target(%arg8 : memref<40x64xi32, #tpu.memory_space<vmem>>) target_semaphore(%run_scoped3A : memref<!tpu.dma_semaphore, #tpu.memory_space<semaphore_mem>>)
        %dma_wait3A_78 = arith.constant 0 : i32
        %dma_wait3A_79 = arith.constant 0 : i32
        %dma_wait3A_80 = tpu.memref_slice %arg3[%add3A, %scan3A_17, %dma_wait3A_78, %dma_wait3A_79] : memref<32x4x40x64xi32, #tpu.memory_space<hbm>> -> memref<1x1x40x64xi32, #tpu.memory_space<hbm>>
        %dma_wait3A_81 = tpu.memref_squeeze %dma_wait3A_80 : memref<1x1x40x64xi32, #tpu.memory_space<hbm>> -> memref<40x64xi32, #tpu.memory_space<hbm>>
        %dma_wait3A_82 = arith.constant 0 : i32
        %dma_wait3A_83 = arith.constant 0 : i32
        %dma_wait3A_84 = tpu.memref_slice %arg3[%add3A, %scan3A_17, %dma_wait3A_82, %dma_wait3A_83] : memref<32x4x40x64xi32, #tpu.memory_space<hbm>> -> memref<1x1x40x64xi32, #tpu.memory_space<hbm>>
        %dma_wait3A_85 = tpu.memref_squeeze %dma_wait3A_84 : memref<1x1x40x64xi32, #tpu.memory_space<hbm>> -> memref<40x64xi32, #tpu.memory_space<hbm>>
        tpu.wait_dma2 semaphore(%run_scoped3A : memref<!tpu.dma_semaphore, #tpu.memory_space<semaphore_mem>>) src(%dma_wait3A_85 : memref<40x64xi32, #tpu.memory_space<hbm>>) dst(%arg8 : memref<40x64xi32, #tpu.memory_space<vmem>>)
        tpu.yield
      }) : () -> ()
      "tpu.region"() ({
        %run_scoped3A = tpu.sem_alloc : memref<!tpu.dma_semaphore, #tpu.memory_space<semaphore_mem>>
        %dma_start3A_70 = arith.constant 0 : i32
        %dma_start3A_71 = arith.constant 0 : i32
        %dma_start3A_72 = tpu.memref_slice %arg4[%add3A, %scan3A_17, %dma_start3A_70, %dma_start3A_71] : memref<32x4x40x64xi32, #tpu.memory_space<hbm>> -> memref<1x1x40x64xi32, #tpu.memory_space<hbm>>
        %dma_start3A_73 = tpu.memref_squeeze %dma_start3A_72 : memref<1x1x40x64xi32, #tpu.memory_space<hbm>> -> memref<40x64xi32, #tpu.memory_space<hbm>>
        %dma_start3A_74 = arith.constant 0 : i32
        %dma_start3A_75 = arith.constant 0 : i32
        %dma_start3A_76 = tpu.memref_slice %arg4[%add3A, %scan3A_17, %dma_start3A_74, %dma_start3A_75] : memref<32x4x40x64xi32, #tpu.memory_space<hbm>> -> memref<1x1x40x64xi32, #tpu.memory_space<hbm>>
        %dma_start3A_77 = tpu.memref_squeeze %dma_start3A_76 : memref<1x1x40x64xi32, #tpu.memory_space<hbm>> -> memref<40x64xi32, #tpu.memory_space<hbm>>
        tpu.enqueue_dma source(%dma_start3A_77 : memref<40x64xi32, #tpu.memory_space<hbm>>) target(%arg9 : memref<40x64xi32, #tpu.memory_space<vmem>>) target_semaphore(%run_scoped3A : memref<!tpu.dma_semaphore, #tpu.memory_space<semaphore_mem>>)
        %dma_wait3A_78 = arith.constant 0 : i32
        %dma_wait3A_79 = arith.constant 0 : i32
        %dma_wait3A_80 = tpu.memref_slice %arg4[%add3A, %scan3A_17, %dma_wait3A_78, %dma_wait3A_79] : memref<32x4x40x64xi32, #tpu.memory_space<hbm>> -> memref<1x1x40x64xi32, #tpu.memory_space<hbm>>
        %dma_wait3A_81 = tpu.memref_squeeze %dma_wait3A_80 : memref<1x1x40x64xi32, #tpu.memory_space<hbm>> -> memref<40x64xi32, #tpu.memory_space<hbm>>
        %dma_wait3A_82 = arith.constant 0 : i32
        %dma_wait3A_83 = arith.constant 0 : i32
        %dma_wait3A_84 = tpu.memref_slice %arg4[%add3A, %scan3A_17, %dma_wait3A_82, %dma_wait3A_83] : memref<32x4x40x64xi32, #tpu.memory_space<hbm>> -> memref<1x1x40x64xi32, #tpu.memory_space<hbm>>
        %dma_wait3A_85 = tpu.memref_squeeze %dma_wait3A_84 : memref<1x1x40x64xi32, #tpu.memory_space<hbm>> -> memref<40x64xi32, #tpu.memory_space<hbm>>
        tpu.wait_dma2 semaphore(%run_scoped3A : memref<!tpu.dma_semaphore, #tpu.memory_space<semaphore_mem>>) src(%dma_wait3A_85 : memref<40x64xi32, #tpu.memory_space<hbm>>) dst(%arg9 : memref<40x64xi32, #tpu.memory_space<vmem>>)
        tpu.yield
      }) : () -> ()
      %dma_start3A = arith.constant 0 : i32
      %dma_start3A_18 = arith.constant 0 : i32
      %dma_start3A_19 = arith.constant 0 : i32
      %dma_start3A_20 = arith.constant 0 : i32
      %dma_start3A_21 = tpu.memref_slice %arg10[%dma_start3A_18, %dma_start3A_19, %dma_start3A_20] : memref<4x64x128xf32, #tpu.memory_space<vmem>> -> memref<1x64x128xf32, #tpu.memory_space<vmem>>
      %dma_start3A_22 = tpu.memref_squeeze %dma_start3A_21 : memref<1x64x128xf32, #tpu.memory_space<vmem>> -> memref<64x128xf32, #tpu.memory_space<vmem>>
      %dma_start3A_23 = arith.constant 0 : i32
      %dma_start3A_24 = tpu.memref_slice %arg8[%dma_start3A, %dma_start3A_23] : memref<40x64xi32, #tpu.memory_space<vmem>> -> memref<1x64xi32, #tpu.memory_space<vmem>>
      %dma_start3A_25 = tpu.memref_squeeze %dma_start3A_24 : memref<1x64xi32, #tpu.memory_space<vmem>> -> memref<64xi32, #tpu.memory_space<vmem>>
      %dma_start3A_26 = arith.constant 0 : i32
      %dma_start3A_27 = arith.constant 0 : i32
      %dma_start3A_28 = tpu.memref_slice %arg2[%dma_start3A_26, %dma_start3A_27] : memref<10240x128xf32, #tpu.memory_space<hbm>> -> memref<10240x128xf32, #tpu.memory_space<hbm>>
      tpu.enqueue_indirect_dma source(%dma_start3A_28 : memref<10240x128xf32, #tpu.memory_space<hbm>>) target(%dma_start3A_22 : memref<64x128xf32, #tpu.memory_space<vmem>>) offsets(%dma_start3A_25 : memref<64xi32, #tpu.memory_space<vmem>>) semaphore(%arg11 : memref<!tpu.dma_semaphore, #tpu.memory_space<semaphore_mem>>)
      %dma_start3A_29 = arith.constant 1 : i32
      %dma_start3A_30 = arith.constant 1 : i32
      %dma_start3A_31 = arith.constant 0 : i32
      %dma_start3A_32 = arith.constant 0 : i32
      %dma_start3A_33 = tpu.memref_slice %arg10[%dma_start3A_30, %dma_start3A_31, %dma_start3A_32] : memref<4x64x128xf32, #tpu.memory_space<vmem>> -> memref<1x64x128xf32, #tpu.memory_space<vmem>>
      %dma_start3A_34 = tpu.memref_squeeze %dma_start3A_33 : memref<1x64x128xf32, #tpu.memory_space<vmem>> -> memref<64x128xf32, #tpu.memory_space<vmem>>
      %dma_start3A_35 = arith.constant 0 : i32
      %dma_start3A_36 = tpu.memref_slice %arg8[%dma_start3A_29, %dma_start3A_35] : memref<40x64xi32, #tpu.memory_space<vmem>> -> memref<1x64xi32, #tpu.memory_space<vmem>>
      %dma_start3A_37 = tpu.memref_squeeze %dma_start3A_36 : memref<1x64xi32, #tpu.memory_space<vmem>> -> memref<64xi32, #tpu.memory_space<vmem>>
      %dma_start3A_38 = arith.constant 0 : i32
      %dma_start3A_39 = arith.constant 0 : i32
      %dma_start3A_40 = tpu.memref_slice %arg2[%dma_start3A_38, %dma_start3A_39] : memref<10240x128xf32, #tpu.memory_space<hbm>> -> memref<10240x128xf32, #tpu.memory_space<hbm>>
      tpu.enqueue_indirect_dma source(%dma_start3A_40 : memref<10240x128xf32, #tpu.memory_space<hbm>>) target(%dma_start3A_34 : memref<64x128xf32, #tpu.memory_space<vmem>>) offsets(%dma_start3A_37 : memref<64xi32, #tpu.memory_space<vmem>>) semaphore(%arg12 : memref<!tpu.dma_semaphore, #tpu.memory_space<semaphore_mem>>)
      %dma_start3A_41 = arith.constant 2 : i32
      %dma_start3A_42 = arith.constant 2 : i32
      %dma_start3A_43 = arith.constant 0 : i32
      %dma_start3A_44 = arith.constant 0 : i32
      %dma_start3A_45 = tpu.memref_slice %arg10[%dma_start3A_42, %dma_start3A_43, %dma_start3A_44] : memref<4x64x128xf32, #tpu.memory_space<vmem>> -> memref<1x64x128xf32, #tpu.memory_space<vmem>>
      %dma_start3A_46 = tpu.memref_squeeze %dma_start3A_45 : memref<1x64x128xf32, #tpu.memory_space<vmem>> -> memref<64x128xf32, #tpu.memory_space<vmem>>
      %dma_start3A_47 = arith.constant 0 : i32
      %dma_start3A_48 = tpu.memref_slice %arg8[%dma_start3A_41, %dma_start3A_47] : memref<40x64xi32, #tpu.memory_space<vmem>> -> memref<1x64xi32, #tpu.memory_space<vmem>>
      %dma_start3A_49 = tpu.memref_squeeze %dma_start3A_48 : memref<1x64xi32, #tpu.memory_space<vmem>> -> memref<64xi32, #tpu.memory_space<vmem>>
      %dma_start3A_50 = arith.constant 0 : i32
      %dma_start3A_51 = arith.constant 0 : i32
      %dma_start3A_52 = tpu.memref_slice %arg2[%dma_start3A_50, %dma_start3A_51] : memref<10240x128xf32, #tpu.memory_space<hbm>> -> memref<10240x128xf32, #tpu.memory_space<hbm>>
      tpu.enqueue_indirect_dma source(%dma_start3A_52 : memref<10240x128xf32, #tpu.memory_space<hbm>>) target(%dma_start3A_46 : memref<64x128xf32, #tpu.memory_space<vmem>>) offsets(%dma_start3A_49 : memref<64xi32, #tpu.memory_space<vmem>>) semaphore(%arg13 : memref<!tpu.dma_semaphore, #tpu.memory_space<semaphore_mem>>)
      %scan3A_53 = arith.constant 0 : i32
      %scan3A_54 = arith.constant 0 : i32
      %scan3A_55 = arith.constant 10 : i32
      %scan3A_56 = arith.addi %scan3A_54, %scan3A_55 : i32
      %scan3A_57 = arith.constant 1 : i32
      scf.for %scan3A_70 = %scan3A_54 to %scan3A_56 step %scan3A_57  : i32 {
        %mul3A_71 = arith.constant 4 : i32
        %mul3A_72 = arith.muli %scan3A_70, %mul3A_71 : i32
        %add3A_73 = arith.constant 0 : i32
        %add3A_74 = arith.addi %mul3A_72, %add3A_73 : i32
        %dma_wait3A_75 = arith.constant 0 : i32
        %dma_wait3A_76 = arith.constant 0 : i32
        %dma_wait3A_77 = arith.constant 0 : i32
        %dma_wait3A_78 = arith.constant 0 : i32
        %dma_wait3A_79 = tpu.memref_slice %arg10[%dma_wait3A_76, %dma_wait3A_77, %dma_wait3A_78] : memref<4x64x128xf32, #tpu.memory_space<vmem>> -> memref<1x64x128xf32, #tpu.memory_space<vmem>>
        %dma_wait3A_80 = tpu.memref_squeeze %dma_wait3A_79 : memref<1x64x128xf32, #tpu.memory_space<vmem>> -> memref<64x128xf32, #tpu.memory_space<vmem>>
        %dma_wait3A_81 = arith.constant 0 : i32
        %dma_wait3A_82 = tpu.memref_slice %arg8[%dma_wait3A_75, %dma_wait3A_81] : memref<40x64xi32, #tpu.memory_space<vmem>> -> memref<1x64xi32, #tpu.memory_space<vmem>>
        %dma_wait3A_83 = tpu.memref_squeeze %dma_wait3A_82 : memref<1x64xi32, #tpu.memory_space<vmem>> -> memref<64xi32, #tpu.memory_space<vmem>>
        %dma_wait3A_84 = arith.constant 0 : i32
        %dma_wait3A_85 = arith.constant 0 : i32
        %dma_wait3A_86 = tpu.memref_slice %arg2[%dma_wait3A_84, %dma_wait3A_85] : memref<10240x128xf32, #tpu.memory_space<hbm>> -> memref<10240x128xf32, #tpu.memory_space<hbm>>
        tpu.wait_indirect_dma semaphore(%arg11 : memref<!tpu.dma_semaphore, #tpu.memory_space<semaphore_mem>>) src(%dma_wait3A_86 : memref<10240x128xf32, #tpu.memory_space<hbm>>) dst(%dma_wait3A_80 : memref<64x128xf32, #tpu.memory_space<vmem>>)
        %dma_start3A_87 = arith.constant 0 : i32
        %dma_start3A_88 = arith.constant 0 : i32
        %dma_start3A_89 = arith.constant 0 : i32
        %dma_start3A_90 = tpu.memref_slice %arg10[%dma_start3A_87, %dma_start3A_88, %dma_start3A_89] : memref<4x64x128xf32, #tpu.memory_space<vmem>> -> memref<1x64x128xf32, #tpu.memory_space<vmem>>
        %dma_start3A_91 = tpu.memref_squeeze %dma_start3A_90 : memref<1x64x128xf32, #tpu.memory_space<vmem>> -> memref<64x128xf32, #tpu.memory_space<vmem>>
        %dma_start3A_92 = arith.constant 0 : i32
        %dma_start3A_93 = tpu.memref_slice %arg9[%add3A_74, %dma_start3A_92] : memref<40x64xi32, #tpu.memory_space<vmem>> -> memref<1x64xi32, #tpu.memory_space<vmem>>
        %dma_start3A_94 = tpu.memref_squeeze %dma_start3A_93 : memref<1x64xi32, #tpu.memory_space<vmem>> -> memref<64xi32, #tpu.memory_space<vmem>>
        %dma_start3A_95 = arith.constant 0 : i32
        %dma_start3A_96 = arith.constant 0 : i32
        %dma_start3A_97 = tpu.memref_slice %arg7[%dma_start3A_95, %dma_start3A_96] : memref<10240x128xf32, #tpu.memory_space<vmem_shared>> -> memref<10240x128xf32, #tpu.memory_space<vmem_shared>>
        tpu.enqueue_indirect_dma source(%dma_start3A_91 : memref<64x128xf32, #tpu.memory_space<vmem>>) target(%dma_start3A_97 : memref<10240x128xf32, #tpu.memory_space<vmem_shared>>) offsets(%dma_start3A_94 : memref<64xi32, #tpu.memory_space<vmem>>) semaphore(%arg15 : memref<!tpu.dma_semaphore, #tpu.memory_space<semaphore_mem>>) {add = true}
        %ge3A = arith.constant 1 : i32
        %ge3A_98 = arith.cmpi sge, %add3A_74, %ge3A : i32
        %convert_element_type3A_99 = arith.extui %ge3A_98 : i1 to i32
        %cond3A_100 = arith.constant 0 : i32
        %cond3A_101 = arith.cmpi ne, %convert_element_type3A_99, %cond3A_100 : i32
        scf.if %cond3A_101 {
          %dma_wait3A_225 = arith.constant 3 : i32
          %dma_wait3A_226 = arith.constant 0 : i32
          %dma_wait3A_227 = arith.constant 0 : i32
          %dma_wait3A_228 = tpu.memref_slice %arg10[%dma_wait3A_225, %dma_wait3A_226, %dma_wait3A_227] : memref<4x64x128xf32, #tpu.memory_space<vmem>> -> memref<1x64x128xf32, #tpu.memory_space<vmem>>
          %dma_wait3A_229 = tpu.memref_squeeze %dma_wait3A_228 : memref<1x64x128xf32, #tpu.memory_space<vmem>> -> memref<64x128xf32, #tpu.memory_space<vmem>>
          %dma_wait3A_230 = arith.constant 0 : i32
          %dma_wait3A_231 = tpu.memref_slice %arg9[%add3A_74, %dma_wait3A_230] : memref<40x64xi32, #tpu.memory_space<vmem>> -> memref<1x64xi32, #tpu.memory_space<vmem>>
          %dma_wait3A_232 = tpu.memref_squeeze %dma_wait3A_231 : memref<1x64xi32, #tpu.memory_space<vmem>> -> memref<64xi32, #tpu.memory_space<vmem>>
          %dma_wait3A_233 = arith.constant 0 : i32
          %dma_wait3A_234 = arith.constant 0 : i32
          %dma_wait3A_235 = tpu.memref_slice %arg7[%dma_wait3A_233, %dma_wait3A_234] : memref<10240x128xf32, #tpu.memory_space<vmem_shared>> -> memref<10240x128xf32, #tpu.memory_space<vmem_shared>>
          tpu.wait_indirect_dma semaphore(%arg18 : memref<!tpu.dma_semaphore, #tpu.memory_space<semaphore_mem>>) src(%dma_wait3A_229 : memref<64x128xf32, #tpu.memory_space<vmem>>) dst(%dma_wait3A_235 : memref<10240x128xf32, #tpu.memory_space<vmem_shared>>)
        } else {
        }
        %add3A_102 = arith.constant 3 : i32
        %add3A_103 = arith.addi %add3A_74, %add3A_102 : i32
        %lt3A = arith.constant 40 : i32
        %lt3A_104 = arith.cmpi slt, %add3A_103, %lt3A : i32
        %convert_element_type3A_105 = arith.extui %lt3A_104 : i1 to i32
        %cond3A_106 = arith.constant 0 : i32
        %cond3A_107 = arith.cmpi ne, %convert_element_type3A_105, %cond3A_106 : i32
        scf.if %cond3A_107 {
          %add3A_225 = arith.constant 3 : i32
          %add3A_226 = arith.addi %add3A_74, %add3A_225 : i32
          %dma_start3A_227 = arith.constant 3 : i32
          %dma_start3A_228 = arith.constant 0 : i32
          %dma_start3A_229 = arith.constant 0 : i32
          %dma_start3A_230 = tpu.memref_slice %arg10[%dma_start3A_227, %dma_start3A_228, %dma_start3A_229] : memref<4x64x128xf32, #tpu.memory_space<vmem>> -> memref<1x64x128xf32, #tpu.memory_space<vmem>>
          %dma_start3A_231 = tpu.memref_squeeze %dma_start3A_230 : memref<1x64x128xf32, #tpu.memory_space<vmem>> -> memref<64x128xf32, #tpu.memory_space<vmem>>
          %dma_start3A_232 = arith.constant 0 : i32
          %dma_start3A_233 = tpu.memref_slice %arg8[%add3A_226, %dma_start3A_232] : memref<40x64xi32, #tpu.memory_space<vmem>> -> memref<1x64xi32, #tpu.memory_space<vmem>>
          %dma_start3A_234 = tpu.memref_squeeze %dma_start3A_233 : memref<1x64xi32, #tpu.memory_space<vmem>> -> memref<64xi32, #tpu.memory_space<vmem>>
          %dma_start3A_235 = arith.constant 0 : i32
          %dma_start3A_236 = arith.constant 0 : i32
          %dma_start3A_237 = tpu.memref_slice %arg2[%dma_start3A_235, %dma_start3A_236] : memref<10240x128xf32, #tpu.memory_space<hbm>> -> memref<10240x128xf32, #tpu.memory_space<hbm>>
          tpu.enqueue_indirect_dma source(%dma_start3A_237 : memref<10240x128xf32, #tpu.memory_space<hbm>>) target(%dma_start3A_231 : memref<64x128xf32, #tpu.memory_space<vmem>>) offsets(%dma_start3A_234 : memref<64xi32, #tpu.memory_space<vmem>>) semaphore(%arg14 : memref<!tpu.dma_semaphore, #tpu.memory_space<semaphore_mem>>)
        } else {
        }
        %mul3A_108 = arith.constant 4 : i32
        %mul3A_109 = arith.muli %scan3A_70, %mul3A_108 : i32
        %add3A_110 = arith.constant 1 : i32
        %add3A_111 = arith.addi %mul3A_109, %add3A_110 : i32
        %dma_wait3A_112 = arith.constant 1 : i32
        %dma_wait3A_113 = arith.constant 1 : i32
        %dma_wait3A_114 = arith.constant 0 : i32
        %dma_wait3A_115 = arith.constant 0 : i32
        %dma_wait3A_116 = tpu.memref_slice %arg10[%dma_wait3A_113, %dma_wait3A_114, %dma_wait3A_115] : memref<4x64x128xf32, #tpu.memory_space<vmem>> -> memref<1x64x128xf32, #tpu.memory_space<vmem>>
        %dma_wait3A_117 = tpu.memref_squeeze %dma_wait3A_116 : memref<1x64x128xf32, #tpu.memory_space<vmem>> -> memref<64x128xf32, #tpu.memory_space<vmem>>
        %dma_wait3A_118 = arith.constant 0 : i32
        %dma_wait3A_119 = tpu.memref_slice %arg8[%dma_wait3A_112, %dma_wait3A_118] : memref<40x64xi32, #tpu.memory_space<vmem>> -> memref<1x64xi32, #tpu.memory_space<vmem>>
        %dma_wait3A_120 = tpu.memref_squeeze %dma_wait3A_119 : memref<1x64xi32, #tpu.memory_space<vmem>> -> memref<64xi32, #tpu.memory_space<vmem>>
        %dma_wait3A_121 = arith.constant 0 : i32
        %dma_wait3A_122 = arith.constant 0 : i32
        %dma_wait3A_123 = tpu.memref_slice %arg2[%dma_wait3A_121, %dma_wait3A_122] : memref<10240x128xf32, #tpu.memory_space<hbm>> -> memref<10240x128xf32, #tpu.memory_space<hbm>>
        tpu.wait_indirect_dma semaphore(%arg12 : memref<!tpu.dma_semaphore, #tpu.memory_space<semaphore_mem>>) src(%dma_wait3A_123 : memref<10240x128xf32, #tpu.memory_space<hbm>>) dst(%dma_wait3A_117 : memref<64x128xf32, #tpu.memory_space<vmem>>)
        %dma_start3A_124 = arith.constant 1 : i32
        %dma_start3A_125 = arith.constant 0 : i32
        %dma_start3A_126 = arith.constant 0 : i32
        %dma_start3A_127 = tpu.memref_slice %arg10[%dma_start3A_124, %dma_start3A_125, %dma_start3A_126] : memref<4x64x128xf32, #tpu.memory_space<vmem>> -> memref<1x64x128xf32, #tpu.memory_space<vmem>>
        %dma_start3A_128 = tpu.memref_squeeze %dma_start3A_127 : memref<1x64x128xf32, #tpu.memory_space<vmem>> -> memref<64x128xf32, #tpu.memory_space<vmem>>
        %dma_start3A_129 = arith.constant 0 : i32
        %dma_start3A_130 = tpu.memref_slice %arg9[%add3A_111, %dma_start3A_129] : memref<40x64xi32, #tpu.memory_space<vmem>> -> memref<1x64xi32, #tpu.memory_space<vmem>>
        %dma_start3A_131 = tpu.memref_squeeze %dma_start3A_130 : memref<1x64xi32, #tpu.memory_space<vmem>> -> memref<64xi32, #tpu.memory_space<vmem>>
        %dma_start3A_132 = arith.constant 0 : i32
        %dma_start3A_133 = arith.constant 0 : i32
        %dma_start3A_134 = tpu.memref_slice %arg7[%dma_start3A_132, %dma_start3A_133] : memref<10240x128xf32, #tpu.memory_space<vmem_shared>> -> memref<10240x128xf32, #tpu.memory_space<vmem_shared>>
        tpu.enqueue_indirect_dma source(%dma_start3A_128 : memref<64x128xf32, #tpu.memory_space<vmem>>) target(%dma_start3A_134 : memref<10240x128xf32, #tpu.memory_space<vmem_shared>>) offsets(%dma_start3A_131 : memref<64xi32, #tpu.memory_space<vmem>>) semaphore(%arg16 : memref<!tpu.dma_semaphore, #tpu.memory_space<semaphore_mem>>) {add = true}
        %ge3A_135 = arith.constant 1 : i32
        %ge3A_136 = arith.cmpi sge, %add3A_111, %ge3A_135 : i32
        %convert_element_type3A_137 = arith.extui %ge3A_136 : i1 to i32
        %cond3A_138 = arith.constant 0 : i32
        %cond3A_139 = arith.cmpi ne, %convert_element_type3A_137, %cond3A_138 : i32
        scf.if %cond3A_139 {
          %dma_wait3A_225 = arith.constant 0 : i32
          %dma_wait3A_226 = arith.constant 0 : i32
          %dma_wait3A_227 = arith.constant 0 : i32
          %dma_wait3A_228 = tpu.memref_slice %arg10[%dma_wait3A_225, %dma_wait3A_226, %dma_wait3A_227] : memref<4x64x128xf32, #tpu.memory_space<vmem>> -> memref<1x64x128xf32, #tpu.memory_space<vmem>>
          %dma_wait3A_229 = tpu.memref_squeeze %dma_wait3A_228 : memref<1x64x128xf32, #tpu.memory_space<vmem>> -> memref<64x128xf32, #tpu.memory_space<vmem>>
          %dma_wait3A_230 = arith.constant 0 : i32
          %dma_wait3A_231 = tpu.memref_slice %arg9[%add3A_111, %dma_wait3A_230] : memref<40x64xi32, #tpu.memory_space<vmem>> -> memref<1x64xi32, #tpu.memory_space<vmem>>
          %dma_wait3A_232 = tpu.memref_squeeze %dma_wait3A_231 : memref<1x64xi32, #tpu.memory_space<vmem>> -> memref<64xi32, #tpu.memory_space<vmem>>
          %dma_wait3A_233 = arith.constant 0 : i32
          %dma_wait3A_234 = arith.constant 0 : i32
          %dma_wait3A_235 = tpu.memref_slice %arg7[%dma_wait3A_233, %dma_wait3A_234] : memref<10240x128xf32, #tpu.memory_space<vmem_shared>> -> memref<10240x128xf32, #tpu.memory_space<vmem_shared>>
          tpu.wait_indirect_dma semaphore(%arg15 : memref<!tpu.dma_semaphore, #tpu.memory_space<semaphore_mem>>) src(%dma_wait3A_229 : memref<64x128xf32, #tpu.memory_space<vmem>>) dst(%dma_wait3A_235 : memref<10240x128xf32, #tpu.memory_space<vmem_shared>>)
        } else {
        }
        %add3A_140 = arith.constant 3 : i32
        %add3A_141 = arith.addi %add3A_111, %add3A_140 : i32
        %lt3A_142 = arith.constant 40 : i32
        %lt3A_143 = arith.cmpi slt, %add3A_141, %lt3A_142 : i32
        %convert_element_type3A_144 = arith.extui %lt3A_143 : i1 to i32
        %cond3A_145 = arith.constant 0 : i32
        %cond3A_146 = arith.cmpi ne, %convert_element_type3A_144, %cond3A_145 : i32
        scf.if %cond3A_146 {
          %add3A_225 = arith.constant 3 : i32
          %add3A_226 = arith.addi %add3A_111, %add3A_225 : i32
          %dma_start3A_227 = arith.constant 0 : i32
          %dma_start3A_228 = arith.constant 0 : i32
          %dma_start3A_229 = arith.constant 0 : i32
          %dma_start3A_230 = tpu.memref_slice %arg10[%dma_start3A_227, %dma_start3A_228, %dma_start3A_229] : memref<4x64x128xf32, #tpu.memory_space<vmem>> -> memref<1x64x128xf32, #tpu.memory_space<vmem>>
          %dma_start3A_231 = tpu.memref_squeeze %dma_start3A_230 : memref<1x64x128xf32, #tpu.memory_space<vmem>> -> memref<64x128xf32, #tpu.memory_space<vmem>>
          %dma_start3A_232 = arith.constant 0 : i32
          %dma_start3A_233 = tpu.memref_slice %arg8[%add3A_226, %dma_start3A_232] : memref<40x64xi32, #tpu.memory_space<vmem>> -> memref<1x64xi32, #tpu.memory_space<vmem>>
          %dma_start3A_234 = tpu.memref_squeeze %dma_start3A_233 : memref<1x64xi32, #tpu.memory_space<vmem>> -> memref<64xi32, #tpu.memory_space<vmem>>
          %dma_start3A_235 = arith.constant 0 : i32
          %dma_start3A_236 = arith.constant 0 : i32
          %dma_start3A_237 = tpu.memref_slice %arg2[%dma_start3A_235, %dma_start3A_236] : memref<10240x128xf32, #tpu.memory_space<hbm>> -> memref<10240x128xf32, #tpu.memory_space<hbm>>
          tpu.enqueue_indirect_dma source(%dma_start3A_237 : memref<10240x128xf32, #tpu.memory_space<hbm>>) target(%dma_start3A_231 : memref<64x128xf32, #tpu.memory_space<vmem>>) offsets(%dma_start3A_234 : memref<64xi32, #tpu.memory_space<vmem>>) semaphore(%arg11 : memref<!tpu.dma_semaphore, #tpu.memory_space<semaphore_mem>>)
        } else {
        }
        %mul3A_147 = arith.constant 4 : i32
        %mul3A_148 = arith.muli %scan3A_70, %mul3A_147 : i32
        %add3A_149 = arith.constant 2 : i32
        %add3A_150 = arith.addi %mul3A_148, %add3A_149 : i32
        %dma_wait3A_151 = arith.constant 2 : i32
        %dma_wait3A_152 = arith.constant 2 : i32
        %dma_wait3A_153 = arith.constant 0 : i32
        %dma_wait3A_154 = arith.constant 0 : i32
        %dma_wait3A_155 = tpu.memref_slice %arg10[%dma_wait3A_152, %dma_wait3A_153, %dma_wait3A_154] : memref<4x64x128xf32, #tpu.memory_space<vmem>> -> memref<1x64x128xf32, #tpu.memory_space<vmem>>
        %dma_wait3A_156 = tpu.memref_squeeze %dma_wait3A_155 : memref<1x64x128xf32, #tpu.memory_space<vmem>> -> memref<64x128xf32, #tpu.memory_space<vmem>>
        %dma_wait3A_157 = arith.constant 0 : i32
        %dma_wait3A_158 = tpu.memref_slice %arg8[%dma_wait3A_151, %dma_wait3A_157] : memref<40x64xi32, #tpu.memory_space<vmem>> -> memref<1x64xi32, #tpu.memory_space<vmem>>
        %dma_wait3A_159 = tpu.memref_squeeze %dma_wait3A_158 : memref<1x64xi32, #tpu.memory_space<vmem>> -> memref<64xi32, #tpu.memory_space<vmem>>
        %dma_wait3A_160 = arith.constant 0 : i32
        %dma_wait3A_161 = arith.constant 0 : i32
        %dma_wait3A_162 = tpu.memref_slice %arg2[%dma_wait3A_160, %dma_wait3A_161] : memref<10240x128xf32, #tpu.memory_space<hbm>> -> memref<10240x128xf32, #tpu.memory_space<hbm>>
        tpu.wait_indirect_dma semaphore(%arg13 : memref<!tpu.dma_semaphore, #tpu.memory_space<semaphore_mem>>) src(%dma_wait3A_162 : memref<10240x128xf32, #tpu.memory_space<hbm>>) dst(%dma_wait3A_156 : memref<64x128xf32, #tpu.memory_space<vmem>>)
        %dma_start3A_163 = arith.constant 2 : i32
        %dma_start3A_164 = arith.constant 0 : i32
        %dma_start3A_165 = arith.constant 0 : i32
        %dma_start3A_166 = tpu.memref_slice %arg10[%dma_start3A_163, %dma_start3A_164, %dma_start3A_165] : memref<4x64x128xf32, #tpu.memory_space<vmem>> -> memref<1x64x128xf32, #tpu.memory_space<vmem>>
        %dma_start3A_167 = tpu.memref_squeeze %dma_start3A_166 : memref<1x64x128xf32, #tpu.memory_space<vmem>> -> memref<64x128xf32, #tpu.memory_space<vmem>>
        %dma_start3A_168 = arith.constant 0 : i32
        %dma_start3A_169 = tpu.memref_slice %arg9[%add3A_150, %dma_start3A_168] : memref<40x64xi32, #tpu.memory_space<vmem>> -> memref<1x64xi32, #tpu.memory_space<vmem>>
        %dma_start3A_170 = tpu.memref_squeeze %dma_start3A_169 : memref<1x64xi32, #tpu.memory_space<vmem>> -> memref<64xi32, #tpu.memory_space<vmem>>
        %dma_start3A_171 = arith.constant 0 : i32
        %dma_start3A_172 = arith.constant 0 : i32
        %dma_start3A_173 = tpu.memref_slice %arg7[%dma_start3A_171, %dma_start3A_172] : memref<10240x128xf32, #tpu.memory_space<vmem_shared>> -> memref<10240x128xf32, #tpu.memory_space<vmem_shared>>
        tpu.enqueue_indirect_dma source(%dma_start3A_167 : memref<64x128xf32, #tpu.memory_space<vmem>>) target(%dma_start3A_173 : memref<10240x128xf32, #tpu.memory_space<vmem_shared>>) offsets(%dma_start3A_170 : memref<64xi32, #tpu.memory_space<vmem>>) semaphore(%arg17 : memref<!tpu.dma_semaphore, #tpu.memory_space<semaphore_mem>>) {add = true}
        %ge3A_174 = arith.constant 1 : i32
        %ge3A_175 = arith.cmpi sge, %add3A_150, %ge3A_174 : i32
        %convert_element_type3A_176 = arith.extui %ge3A_175 : i1 to i32
        %cond3A_177 = arith.constant 0 : i32
        %cond3A_178 = arith.cmpi ne, %convert_element_type3A_176, %cond3A_177 : i32
        scf.if %cond3A_178 {
          %dma_wait3A_225 = arith.constant 1 : i32
          %dma_wait3A_226 = arith.constant 0 : i32
          %dma_wait3A_227 = arith.constant 0 : i32
          %dma_wait3A_228 = tpu.memref_slice %arg10[%dma_wait3A_225, %dma_wait3A_226, %dma_wait3A_227] : memref<4x64x128xf32, #tpu.memory_space<vmem>> -> memref<1x64x128xf32, #tpu.memory_space<vmem>>
          %dma_wait3A_229 = tpu.memref_squeeze %dma_wait3A_228 : memref<1x64x128xf32, #tpu.memory_space<vmem>> -> memref<64x128xf32, #tpu.memory_space<vmem>>
          %dma_wait3A_230 = arith.constant 0 : i32
          %dma_wait3A_231 = tpu.memref_slice %arg9[%add3A_150, %dma_wait3A_230] : memref<40x64xi32, #tpu.memory_space<vmem>> -> memref<1x64xi32, #tpu.memory_space<vmem>>
          %dma_wait3A_232 = tpu.memref_squeeze %dma_wait3A_231 : memref<1x64xi32, #tpu.memory_space<vmem>> -> memref<64xi32, #tpu.memory_space<vmem>>
          %dma_wait3A_233 = arith.constant 0 : i32
          %dma_wait3A_234 = arith.constant 0 : i32
          %dma_wait3A_235 = tpu.memref_slice %arg7[%dma_wait3A_233, %dma_wait3A_234] : memref<10240x128xf32, #tpu.memory_space<vmem_shared>> -> memref<10240x128xf32, #tpu.memory_space<vmem_shared>>
          tpu.wait_indirect_dma semaphore(%arg16 : memref<!tpu.dma_semaphore, #tpu.memory_space<semaphore_mem>>) src(%dma_wait3A_229 : memref<64x128xf32, #tpu.memory_space<vmem>>) dst(%dma_wait3A_235 : memref<10240x128xf32, #tpu.memory_space<vmem_shared>>)
        } else {
        }
        %add3A_179 = arith.constant 3 : i32
        %add3A_180 = arith.addi %add3A_150, %add3A_179 : i32
        %lt3A_181 = arith.constant 40 : i32
        %lt3A_182 = arith.cmpi slt, %add3A_180, %lt3A_181 : i32
        %convert_element_type3A_183 = arith.extui %lt3A_182 : i1 to i32
        %cond3A_184 = arith.constant 0 : i32
        %cond3A_185 = arith.cmpi ne, %convert_element_type3A_183, %cond3A_184 : i32
        scf.if %cond3A_185 {
          %add3A_225 = arith.constant 3 : i32
          %add3A_226 = arith.addi %add3A_150, %add3A_225 : i32
          %dma_start3A_227 = arith.constant 1 : i32
          %dma_start3A_228 = arith.constant 0 : i32
          %dma_start3A_229 = arith.constant 0 : i32
          %dma_start3A_230 = tpu.memref_slice %arg10[%dma_start3A_227, %dma_start3A_228, %dma_start3A_229] : memref<4x64x128xf32, #tpu.memory_space<vmem>> -> memref<1x64x128xf32, #tpu.memory_space<vmem>>
          %dma_start3A_231 = tpu.memref_squeeze %dma_start3A_230 : memref<1x64x128xf32, #tpu.memory_space<vmem>> -> memref<64x128xf32, #tpu.memory_space<vmem>>
          %dma_start3A_232 = arith.constant 0 : i32
          %dma_start3A_233 = tpu.memref_slice %arg8[%add3A_226, %dma_start3A_232] : memref<40x64xi32, #tpu.memory_space<vmem>> -> memref<1x64xi32, #tpu.memory_space<vmem>>
          %dma_start3A_234 = tpu.memref_squeeze %dma_start3A_233 : memref<1x64xi32, #tpu.memory_space<vmem>> -> memref<64xi32, #tpu.memory_space<vmem>>
          %dma_start3A_235 = arith.constant 0 : i32
          %dma_start3A_236 = arith.constant 0 : i32
          %dma_start3A_237 = tpu.memref_slice %arg2[%dma_start3A_235, %dma_start3A_236] : memref<10240x128xf32, #tpu.memory_space<hbm>> -> memref<10240x128xf32, #tpu.memory_space<hbm>>
          tpu.enqueue_indirect_dma source(%dma_start3A_237 : memref<10240x128xf32, #tpu.memory_space<hbm>>) target(%dma_start3A_231 : memref<64x128xf32, #tpu.memory_space<vmem>>) offsets(%dma_start3A_234 : memref<64xi32, #tpu.memory_space<vmem>>) semaphore(%arg12 : memref<!tpu.dma_semaphore, #tpu.memory_space<semaphore_mem>>)
        } else {
        }
        %mul3A_186 = arith.constant 4 : i32
        %mul3A_187 = arith.muli %scan3A_70, %mul3A_186 : i32
        %add3A_188 = arith.constant 3 : i32
        %add3A_189 = arith.addi %mul3A_187, %add3A_188 : i32
        %dma_wait3A_190 = arith.constant 3 : i32
        %dma_wait3A_191 = arith.constant 3 : i32
        %dma_wait3A_192 = arith.constant 0 : i32
        %dma_wait3A_193 = arith.constant 0 : i32
        %dma_wait3A_194 = tpu.memref_slice %arg10[%dma_wait3A_191, %dma_wait3A_192, %dma_wait3A_193] : memref<4x64x128xf32, #tpu.memory_space<vmem>> -> memref<1x64x128xf32, #tpu.memory_space<vmem>>
        %dma_wait3A_195 = tpu.memref_squeeze %dma_wait3A_194 : memref<1x64x128xf32, #tpu.memory_space<vmem>> -> memref<64x128xf32, #tpu.memory_space<vmem>>
        %dma_wait3A_196 = arith.constant 0 : i32
        %dma_wait3A_197 = tpu.memref_slice %arg8[%dma_wait3A_190, %dma_wait3A_196] : memref<40x64xi32, #tpu.memory_space<vmem>> -> memref<1x64xi32, #tpu.memory_space<vmem>>
        %dma_wait3A_198 = tpu.memref_squeeze %dma_wait3A_197 : memref<1x64xi32, #tpu.memory_space<vmem>> -> memref<64xi32, #tpu.memory_space<vmem>>
        %dma_wait3A_199 = arith.constant 0 : i32
        %dma_wait3A_200 = arith.constant 0 : i32
        %dma_wait3A_201 = tpu.memref_slice %arg2[%dma_wait3A_199, %dma_wait3A_200] : memref<10240x128xf32, #tpu.memory_space<hbm>> -> memref<10240x128xf32, #tpu.memory_space<hbm>>
        tpu.wait_indirect_dma semaphore(%arg14 : memref<!tpu.dma_semaphore, #tpu.memory_space<semaphore_mem>>) src(%dma_wait3A_201 : memref<10240x128xf32, #tpu.memory_space<hbm>>) dst(%dma_wait3A_195 : memref<64x128xf32, #tpu.memory_space<vmem>>)
        %dma_start3A_202 = arith.constant 3 : i32
        %dma_start3A_203 = arith.constant 0 : i32
        %dma_start3A_204 = arith.constant 0 : i32
        %dma_start3A_205 = tpu.memref_slice %arg10[%dma_start3A_202, %dma_start3A_203, %dma_start3A_204] : memref<4x64x128xf32, #tpu.memory_space<vmem>> -> memref<1x64x128xf32, #tpu.memory_space<vmem>>
        %dma_start3A_206 = tpu.memref_squeeze %dma_start3A_205 : memref<1x64x128xf32, #tpu.memory_space<vmem>> -> memref<64x128xf32, #tpu.memory_space<vmem>>
        %dma_start3A_207 = arith.constant 0 : i32
        %dma_start3A_208 = tpu.memref_slice %arg9[%add3A_189, %dma_start3A_207] : memref<40x64xi32, #tpu.memory_space<vmem>> -> memref<1x64xi32, #tpu.memory_space<vmem>>
        %dma_start3A_209 = tpu.memref_squeeze %dma_start3A_208 : memref<1x64xi32, #tpu.memory_space<vmem>> -> memref<64xi32, #tpu.memory_space<vmem>>
        %dma_start3A_210 = arith.constant 0 : i32
        %dma_start3A_211 = arith.constant 0 : i32
        %dma_start3A_212 = tpu.memref_slice %arg7[%dma_start3A_210, %dma_start3A_211] : memref<10240x128xf32, #tpu.memory_space<vmem_shared>> -> memref<10240x128xf32, #tpu.memory_space<vmem_shared>>
        tpu.enqueue_indirect_dma source(%dma_start3A_206 : memref<64x128xf32, #tpu.memory_space<vmem>>) target(%dma_start3A_212 : memref<10240x128xf32, #tpu.memory_space<vmem_shared>>) offsets(%dma_start3A_209 : memref<64xi32, #tpu.memory_space<vmem>>) semaphore(%arg18 : memref<!tpu.dma_semaphore, #tpu.memory_space<semaphore_mem>>) {add = true}
        %ge3A_213 = arith.constant 1 : i32
        %ge3A_214 = arith.cmpi sge, %add3A_189, %ge3A_213 : i32
        %convert_element_type3A_215 = arith.extui %ge3A_214 : i1 to i32
        %cond3A_216 = arith.constant 0 : i32
        %cond3A_217 = arith.cmpi ne, %convert_element_type3A_215, %cond3A_216 : i32
        scf.if %cond3A_217 {
          %dma_wait3A_225 = arith.constant 2 : i32
          %dma_wait3A_226 = arith.constant 0 : i32
          %dma_wait3A_227 = arith.constant 0 : i32
          %dma_wait3A_228 = tpu.memref_slice %arg10[%dma_wait3A_225, %dma_wait3A_226, %dma_wait3A_227] : memref<4x64x128xf32, #tpu.memory_space<vmem>> -> memref<1x64x128xf32, #tpu.memory_space<vmem>>
          %dma_wait3A_229 = tpu.memref_squeeze %dma_wait3A_228 : memref<1x64x128xf32, #tpu.memory_space<vmem>> -> memref<64x128xf32, #tpu.memory_space<vmem>>
          %dma_wait3A_230 = arith.constant 0 : i32
          %dma_wait3A_231 = tpu.memref_slice %arg9[%add3A_189, %dma_wait3A_230] : memref<40x64xi32, #tpu.memory_space<vmem>> -> memref<1x64xi32, #tpu.memory_space<vmem>>
          %dma_wait3A_232 = tpu.memref_squeeze %dma_wait3A_231 : memref<1x64xi32, #tpu.memory_space<vmem>> -> memref<64xi32, #tpu.memory_space<vmem>>
          %dma_wait3A_233 = arith.constant 0 : i32
          %dma_wait3A_234 = arith.constant 0 : i32
          %dma_wait3A_235 = tpu.memref_slice %arg7[%dma_wait3A_233, %dma_wait3A_234] : memref<10240x128xf32, #tpu.memory_space<vmem_shared>> -> memref<10240x128xf32, #tpu.memory_space<vmem_shared>>
          tpu.wait_indirect_dma semaphore(%arg17 : memref<!tpu.dma_semaphore, #tpu.memory_space<semaphore_mem>>) src(%dma_wait3A_229 : memref<64x128xf32, #tpu.memory_space<vmem>>) dst(%dma_wait3A_235 : memref<10240x128xf32, #tpu.memory_space<vmem_shared>>)
        } else {
        }
        %add3A_218 = arith.constant 3 : i32
        %add3A_219 = arith.addi %add3A_189, %add3A_218 : i32
        %lt3A_220 = arith.constant 40 : i32
        %lt3A_221 = arith.cmpi slt, %add3A_219, %lt3A_220 : i32
        %convert_element_type3A_222 = arith.extui %lt3A_221 : i1 to i32
        %cond3A_223 = arith.constant 0 : i32
        %cond3A_224 = arith.cmpi ne, %convert_element_type3A_222, %cond3A_223 : i32
        scf.if %cond3A_224 {
          %add3A_225 = arith.constant 3 : i32
          %add3A_226 = arith.addi %add3A_189, %add3A_225 : i32
          %dma_start3A_227 = arith.constant 2 : i32
          %dma_start3A_228 = arith.constant 0 : i32
          %dma_start3A_229 = arith.constant 0 : i32
          %dma_start3A_230 = tpu.memref_slice %arg10[%dma_start3A_227, %dma_start3A_228, %dma_start3A_229] : memref<4x64x128xf32, #tpu.memory_space<vmem>> -> memref<1x64x128xf32, #tpu.memory_space<vmem>>
          %dma_start3A_231 = tpu.memref_squeeze %dma_start3A_230 : memref<1x64x128xf32, #tpu.memory_space<vmem>> -> memref<64x128xf32, #tpu.memory_space<vmem>>
          %dma_start3A_232 = arith.constant 0 : i32
          %dma_start3A_233 = tpu.memref_slice %arg8[%add3A_226, %dma_start3A_232] : memref<40x64xi32, #tpu.memory_space<vmem>> -> memref<1x64xi32, #tpu.memory_space<vmem>>
          %dma_start3A_234 = tpu.memref_squeeze %dma_start3A_233 : memref<1x64xi32, #tpu.memory_space<vmem>> -> memref<64xi32, #tpu.memory_space<vmem>>
          %dma_start3A_235 = arith.constant 0 : i32
          %dma_start3A_236 = arith.constant 0 : i32
          %dma_start3A_237 = tpu.memref_slice %arg2[%dma_start3A_235, %dma_start3A_236] : memref<10240x128xf32, #tpu.memory_space<hbm>> -> memref<10240x128xf32, #tpu.memory_space<hbm>>
          tpu.enqueue_indirect_dma source(%dma_start3A_237 : memref<10240x128xf32, #tpu.memory_space<hbm>>) target(%dma_start3A_231 : memref<64x128xf32, #tpu.memory_space<vmem>>) offsets(%dma_start3A_234 : memref<64xi32, #tpu.memory_space<vmem>>) semaphore(%arg13 : memref<!tpu.dma_semaphore, #tpu.memory_space<semaphore_mem>>)
        } else {
        }
      }
      %scan3A_58 = arith.constant 10 : i32
      %dma_wait3A = arith.constant 3 : i32
      %dma_wait3A_59 = arith.constant 0 : i32
      %dma_wait3A_60 = arith.constant 0 : i32
      %dma_wait3A_61 = arith.constant 0 : i32
      %dma_wait3A_62 = tpu.memref_slice %arg10[%dma_wait3A, %dma_wait3A_60, %dma_wait3A_61] : memref<4x64x128xf32, #tpu.memory_space<vmem>> -> memref<1x64x128xf32, #tpu.memory_space<vmem>>
      %dma_wait3A_63 = tpu.memref_squeeze %dma_wait3A_62 : memref<1x64x128xf32, #tpu.memory_space<vmem>> -> memref<64x128xf32, #tpu.memory_space<vmem>>
      %dma_wait3A_64 = arith.constant 0 : i32
      %dma_wait3A_65 = tpu.memref_slice %arg9[%dma_wait3A_59, %dma_wait3A_64] : memref<40x64xi32, #tpu.memory_space<vmem>> -> memref<1x64xi32, #tpu.memory_space<vmem>>
      %dma_wait3A_66 = tpu.memref_squeeze %dma_wait3A_65 : memref<1x64xi32, #tpu.memory_space<vmem>> -> memref<64xi32, #tpu.memory_space<vmem>>
      %dma_wait3A_67 = arith.constant 0 : i32
      %dma_wait3A_68 = arith.constant 0 : i32
      %dma_wait3A_69 = tpu.memref_slice %arg7[%dma_wait3A_67, %dma_wait3A_68] : memref<10240x128xf32, #tpu.memory_space<vmem_shared>> -> memref<10240x128xf32, #tpu.memory_space<vmem_shared>>
      tpu.wait_indirect_dma semaphore(%arg18 : memref<!tpu.dma_semaphore, #tpu.memory_space<semaphore_mem>>) src(%dma_wait3A_63 : memref<64x128xf32, #tpu.memory_space<vmem>>) dst(%dma_wait3A_69 : memref<10240x128xf32, #tpu.memory_space<vmem_shared>>)
    }
    %scan3A_11 = arith.constant 4 : i32
    %barrier3A_12 = arith.constant 0 : index
    tpu.barrier barrier_id(%barrier3A_12)
    %mul3A_13 = arith.constant 640 : i32
    %mul3A_14 = arith.muli %arg1, %mul3A_13 : i32
    %mul3A_15 = arith.constant 640 : i32
    %mul3A_16 = arith.muli %arg1, %mul3A_15 : i32
    "tpu.region"() ({
      %run_scoped3A = tpu.sem_alloc : memref<!tpu.dma_semaphore, #tpu.memory_space<semaphore_mem>>
      %dma_start3A = arith.constant 0 : i32
      %dma_start3A_17 = tpu.memref_slice %arg6[%arg0, %mul3A_16, %dma_start3A] : memref<2x10240x128xf32, #tpu.memory_space<hbm>> -> memref<1x640x128xf32, #tpu.memory_space<hbm>>
      %dma_start3A_18 = tpu.memref_squeeze %dma_start3A_17 : memref<1x640x128xf32, #tpu.memory_space<hbm>> -> memref<640x128xf32, #tpu.memory_space<hbm>>
      %dma_start3A_19 = arith.constant 0 : i32
      %dma_start3A_20 = tpu.memref_slice %arg7[%mul3A_14, %dma_start3A_19] : memref<10240x128xf32, #tpu.memory_space<vmem_shared>> -> memref<640x128xf32, #tpu.memory_space<vmem_shared>>
      tpu.enqueue_dma source(%dma_start3A_20 : memref<640x128xf32, #tpu.memory_space<vmem_shared>>) target(%dma_start3A_18 : memref<640x128xf32, #tpu.memory_space<hbm>>) target_semaphore(%run_scoped3A : memref<!tpu.dma_semaphore, #tpu.memory_space<semaphore_mem>>)
      %dma_wait3A = arith.constant 0 : i32
      %dma_wait3A_21 = tpu.memref_slice %arg6[%arg0, %mul3A_16, %dma_wait3A] : memref<2x10240x128xf32, #tpu.memory_space<hbm>> -> memref<1x640x128xf32, #tpu.memory_space<hbm>>
      %dma_wait3A_22 = tpu.memref_squeeze %dma_wait3A_21 : memref<1x640x128xf32, #tpu.memory_space<hbm>> -> memref<640x128xf32, #tpu.memory_space<hbm>>
      %dma_wait3A_23 = arith.constant 0 : i32
      %dma_wait3A_24 = tpu.memref_slice %arg7[%mul3A_14, %dma_wait3A_23] : memref<10240x128xf32, #tpu.memory_space<vmem_shared>> -> memref<640x128xf32, #tpu.memory_space<vmem_shared>>
      tpu.wait_dma2 semaphore(%run_scoped3A : memref<!tpu.dma_semaphore, #tpu.memory_space<semaphore_mem>>) src(%dma_wait3A_24 : memref<640x128xf32, #tpu.memory_space<vmem_shared>>) dst(%dma_wait3A_22 : memref<640x128xf32, #tpu.memory_space<hbm>>)
      tpu.yield
    }) : () -> ()
    return
  }
}

module attributes {stable_mosaic.version = 14 : i64} {
  func.func @_h_body(%arg0: i32, %arg1: memref<2000x128xf32, #tpu.memory_space<vmem>>, %arg2: memref<128x128xf32, #tpu.memory_space<vmem>>, %arg3: memref<1x128xf32, #tpu.memory_space<vmem>>, %arg4: memref<2000x128xf32, #tpu.memory_space<vmem>>) attributes {dimension_semantics = [#tpu.dimension_semantics<arbitrary>], iteration_bounds = array<i64: 5>, scalar_prefetch = 0 : i64, scratch_operands = 0 : i64, tpu.core_type = #tpu.core_type<tc>, window_params = [{transform_indices = @transform_0, window_bounds = array<i64: 2000, 128>}, {pipeline_mode = #tpu.pipeline_mode<synchronous>, transform_indices = @transform_1, window_bounds = array<i64: 128, 128>}, {pipeline_mode = #tpu.pipeline_mode<synchronous>, transform_indices = @transform_2, window_bounds = array<i64: 1, 128>}, {transform_indices = @transform_3, window_bounds = array<i64: 2000, 128>}]} {
    %get3A = arith.constant 0 : index
    %get3A_0 = arith.constant 0 : index
    %get3A_1 = vector.load %arg1[%get3A, %get3A_0] : memref<2000x128xf32, #tpu.memory_space<vmem>>, vector<2000x128xf32>
    %get3A_2 = arith.constant 0 : index
    %get3A_3 = arith.constant 0 : index
    %get3A_4 = vector.load %arg2[%get3A_2, %get3A_3] : memref<128x128xf32, #tpu.memory_space<vmem>>, vector<128x128xf32>
    %dot_general3A = arith.constant dense<0.000000e+00> : vector<2000x128xf32>
    %dot_general3A_5 = tpu.matmul %get3A_1, %get3A_4, %dot_general3A {dimension_numbers = #tpu.dot_dimension_numbers<[1], [0], [0], [1], [0, 0, 1, 1], [], []>, transpose_lhs_hint = false} : vector<2000x128xf32>, vector<128x128xf32>, vector<2000x128xf32> -> vector<2000x128xf32>
    %get3A_6 = arith.constant 0 : index
    %get3A_7 = arith.constant 0 : index
    %get3A_8 = vector.load %arg3[%get3A_6, %get3A_7] : memref<1x128xf32, #tpu.memory_space<vmem>>, vector<1x128xf32>
    %add3A = vector.broadcast %get3A_8 : vector<1x128xf32> to vector<2000x128xf32>
    %add3A_9 = arith.addf %dot_general3A_5, %add3A : vector<2000x128xf32>
    %swap3A = arith.constant 0 : index
    %swap3A_10 = arith.constant 0 : index
    %swap3A_11 = vector.load %arg4[%swap3A, %swap3A_10] : memref<2000x128xf32, #tpu.memory_space<vmem>>, vector<2000x128xf32>
    tpu.vector_store %arg4[%swap3A, %swap3A_10], %add3A_9 {strides = array<i32>} : memref<2000x128xf32, #tpu.memory_space<vmem>>, vector<2000x128xf32>,
    return
  }
  func.func @transform_0(%arg0: i32) -> (i32, i32) {
    %c0_i32 = arith.constant 0 : i32
    %c0_i32_0 = arith.constant 0 : i32
    return %arg0, %c0_i32 : i32, i32
  }
  func.func @transform_1(%arg0: i32) -> (i32, i32) {
    %c0_i32 = arith.constant 0 : i32
    %c0_i32_0 = arith.constant 0 : i32
    %c0_i32_1 = arith.constant 0 : i32
    return %c0_i32, %c0_i32_0 : i32, i32
  }
  func.func @transform_2(%arg0: i32) -> (i32, i32) {
    %c0_i32 = arith.constant 0 : i32
    %c0_i32_0 = arith.constant 0 : i32
    %c0_i32_1 = arith.constant 0 : i32
    return %c0_i32, %c0_i32_0 : i32, i32
  }
  func.func @transform_3(%arg0: i32) -> (i32, i32) {
    %c0_i32 = arith.constant 0 : i32
    %c0_i32_0 = arith.constant 0 : i32
    return %arg0, %c0_i32 : i32, i32
  }
}

module attributes {stable_mosaic.version = 14 : i64} {
  func.func @_scale_body(%arg0: i32, %arg1: memref<2000x128xf32, #tpu.memory_space<vmem>>, %arg2: memref<2000x1xf32, #tpu.memory_space<vmem>>, %arg3: memref<2000x1xf32, #tpu.memory_space<vmem>>, %arg4: memref<2000x128xf32, #tpu.memory_space<vmem>>, %arg5: memref<2000x1xf32, #tpu.memory_space<vmem>>) attributes {dimension_semantics = [#tpu.dimension_semantics<arbitrary>], iteration_bounds = array<i64: 5>, scalar_prefetch = 0 : i64, scratch_operands = 0 : i64, tpu.core_type = #tpu.core_type<tc>, window_params = [{transform_indices = @transform_0, window_bounds = array<i64: 2000, 128>}, {transform_indices = @transform_1, window_bounds = array<i64: 2000, 1>}, {transform_indices = @transform_2, window_bounds = array<i64: 2000, 1>}, {transform_indices = @transform_3, window_bounds = array<i64: 2000, 128>}, {transform_indices = @transform_4, window_bounds = array<i64: 2000, 1>}]} {
    %get3A = arith.constant 0 : index
    %get3A_0 = arith.constant 0 : index
    %get3A_1 = vector.load %arg2[%get3A, %get3A_0] : memref<2000x1xf32, #tpu.memory_space<vmem>>, vector<2000x1xf32>
    %get3A_2 = arith.constant 0 : index
    %get3A_3 = arith.constant 0 : index
    %get3A_4 = vector.load %arg3[%get3A_2, %get3A_3] : memref<2000x1xf32, #tpu.memory_space<vmem>>, vector<2000x1xf32>
    %add3A = arith.addf %get3A_1, %get3A_4 : vector<2000x1xf32>
    %add3A_5 = arith.constant 1.000000e+00 : f32
    %add3A_6 = vector.broadcast %add3A_5 : f32 to vector<2000x1xf32>
    %add3A_7 = arith.addf %add3A, %add3A_6 : vector<2000x1xf32>
    %rsqrt3A = math.rsqrt %add3A_7 : vector<2000x1xf32>
    %get3A_8 = arith.constant 0 : index
    %get3A_9 = arith.constant 0 : index
    %get3A_10 = vector.load %arg1[%get3A_8, %get3A_9] : memref<2000x128xf32, #tpu.memory_space<vmem>>, vector<2000x128xf32>
    %mul3A = vector.broadcast %rsqrt3A : vector<2000x1xf32> to vector<2000x128xf32>
    %mul3A_11 = arith.mulf %get3A_10, %mul3A : vector<2000x128xf32>
    %swap3A = arith.constant 0 : index
    %swap3A_12 = arith.constant 0 : index
    %swap3A_13 = vector.load %arg4[%swap3A, %swap3A_12] : memref<2000x128xf32, #tpu.memory_space<vmem>>, vector<2000x128xf32>
    tpu.vector_store %arg4[%swap3A, %swap3A_12], %mul3A_11 {strides = array<i32>} : memref<2000x128xf32, #tpu.memory_space<vmem>>, vector<2000x128xf32>,
    %swap3A_14 = arith.constant 0 : index
    %swap3A_15 = arith.constant 0 : index
    %swap3A_16 = vector.load %arg5[%swap3A_14, %swap3A_15] : memref<2000x1xf32, #tpu.memory_space<vmem>>, vector<2000x1xf32>
    tpu.vector_store %arg5[%swap3A_14, %swap3A_15], %rsqrt3A {strides = array<i32>} : memref<2000x1xf32, #tpu.memory_space<vmem>>, vector<2000x1xf32>,
    return
  }
  func.func @transform_0(%arg0: i32) -> (i32, i32) {
    %c0_i32 = arith.constant 0 : i32
    %c0_i32_0 = arith.constant 0 : i32
    return %arg0, %c0_i32 : i32, i32
  }
  func.func @transform_1(%arg0: i32) -> (i32, i32) {
    %c0_i32 = arith.constant 0 : i32
    %c0_i32_0 = arith.constant 0 : i32
    return %arg0, %c0_i32 : i32, i32
  }
  func.func @transform_2(%arg0: i32) -> (i32, i32) {
    %c0_i32 = arith.constant 0 : i32
    %c0_i32_0 = arith.constant 0 : i32
    return %arg0, %c0_i32 : i32, i32
  }
  func.func @transform_3(%arg0: i32) -> (i32, i32) {
    %c0_i32 = arith.constant 0 : i32
    %c0_i32_0 = arith.constant 0 : i32
    return %arg0, %c0_i32 : i32, i32
  }
  func.func @transform_4(%arg0: i32) -> (i32, i32) {
    %c0_i32 = arith.constant 0 : i32
    %c0_i32_0 = arith.constant 0 : i32
    return %arg0, %c0_i32 : i32, i32
  }
}

module attributes {stable_mosaic.version = 14 : i64} {
  func.func @_final_body(%arg0: i32, %arg1: memref<2000x128xf32, #tpu.memory_space<vmem>>, %arg2: memref<2000x128xf32, #tpu.memory_space<vmem>>, %arg3: memref<2000x1xf32, #tpu.memory_space<vmem>>, %arg4: memref<2000x1xi32, #tpu.memory_space<vmem>>, %arg5: memref<128x2xf32, #tpu.memory_space<vmem>>, %arg6: memref<1x2xf32, #tpu.memory_space<vmem>>, %arg7: memref<64x2xf32, #tpu.memory_space<vmem>>, %arg8: memref<64x128xf32, #tpu.memory_space<vmem>>, %arg9: memref<64x128xf32, #tpu.memory_space<vmem>>) attributes {dimension_semantics = [#tpu.dimension_semantics<arbitrary>], iteration_bounds = array<i64: 5>, scalar_prefetch = 0 : i64, scratch_operands = 2 : i64, tpu.core_type = #tpu.core_type<tc>, window_params = [{transform_indices = @transform_0, window_bounds = array<i64: 2000, 128>}, {transform_indices = @transform_1, window_bounds = array<i64: 2000, 128>}, {transform_indices = @transform_2, window_bounds = array<i64: 2000, 1>}, {transform_indices = @transform_3, window_bounds = array<i64: 2000, 1>}, {pipeline_mode = #tpu.pipeline_mode<synchronous>, transform_indices = @transform_4, window_bounds = array<i64: 128, 2>}, {pipeline_mode = #tpu.pipeline_mode<synchronous>, transform_indices = @transform_5, window_bounds = array<i64: 1, 2>}, {pipeline_mode = #tpu.pipeline_mode<synchronous>, transform_indices = @transform_6, window_bounds = array<i64: 64, 2>}]} {
    %eq3A = arith.constant 0 : i32
    %eq3A_0 = arith.cmpi eq, %arg0, %eq3A : i32
    %convert_element_type3A = arith.extui %eq3A_0 : i1 to i32
    %cond3A = arith.constant 0 : i32
    %cond3A_1 = arith.cmpi ne, %convert_element_type3A, %cond3A : i32
    scf.if %cond3A_1 {
      %broadcast_in_dim3A_43 = arith.constant 0.000000e+00 : f32
      %broadcast_in_dim3A_44 = vector.broadcast %broadcast_in_dim3A_43 : f32 to vector<64x128xf32>
      %swap3A_45 = arith.constant 0 : index
      %swap3A_46 = arith.constant 0 : index
      %swap3A_47 = vector.load %arg8[%swap3A_45, %swap3A_46] : memref<64x128xf32, #tpu.memory_space<vmem>>, vector<64x128xf32>
      tpu.vector_store %arg8[%swap3A_45, %swap3A_46], %broadcast_in_dim3A_44 {strides = array<i32>} : memref<64x128xf32, #tpu.memory_space<vmem>>, vector<64x128xf32>,
      %broadcast_in_dim3A_48 = arith.constant 0.000000e+00 : f32
      %broadcast_in_dim3A_49 = vector.broadcast %broadcast_in_dim3A_48 : f32 to vector<64x128xf32>
      %swap3A_50 = arith.constant 0 : index
      %swap3A_51 = arith.constant 0 : index
      %swap3A_52 = vector.load %arg9[%swap3A_50, %swap3A_51] : memref<64x128xf32, #tpu.memory_space<vmem>>, vector<64x128xf32>
      tpu.vector_store %arg9[%swap3A_50, %swap3A_51], %broadcast_in_dim3A_49 {strides = array<i32>} : memref<64x128xf32, #tpu.memory_space<vmem>>, vector<64x128xf32>,
    } else {
    }
    %get3A = arith.constant 0 : index
    %get3A_2 = arith.constant 0 : index
    %get3A_3 = vector.load %arg1[%get3A, %get3A_2] : memref<2000x128xf32, #tpu.memory_space<vmem>>, vector<2000x128xf32>
    %get3A_4 = arith.constant 0 : index
    %get3A_5 = arith.constant 0 : index
    %get3A_6 = vector.load %arg2[%get3A_4, %get3A_5] : memref<2000x128xf32, #tpu.memory_space<vmem>>, vector<2000x128xf32>
    %add3A = arith.addf %get3A_3, %get3A_6 : vector<2000x128xf32>
    %get3A_7 = arith.constant 0 : index
    %get3A_8 = arith.constant 0 : index
    %get3A_9 = vector.load %arg3[%get3A_7, %get3A_8] : memref<2000x1xf32, #tpu.memory_space<vmem>>, vector<2000x1xf32>
    %mul3A = vector.broadcast %get3A_9 : vector<2000x1xf32> to vector<2000x128xf32>
    %mul3A_10 = arith.mulf %add3A, %mul3A : vector<2000x128xf32>
    %max3A = arith.constant 0.000000e+00 : f32
    %max3A_11 = vector.broadcast %max3A : f32 to vector<2000x128xf32>
    %max3A_12 = arith.maximumf %mul3A_10, %max3A_11 : vector<2000x128xf32>
    %get3A_13 = arith.constant 0 : index
    %get3A_14 = arith.constant 0 : index
    %get3A_15 = vector.load %arg4[%get3A_13, %get3A_14] : memref<2000x1xi32, #tpu.memory_space<vmem>>, vector<2000x1xi32>
    %iota3A = tpu.iota {dimensions = array<i32: 1>} : vector<1x64xi32>
    %eq3A_16 = vector.broadcast %get3A_15 : vector<2000x1xi32> to vector<2000x64xi32>
    %eq3A_17 = vector.broadcast %iota3A : vector<1x64xi32> to vector<2000x64xi32>
    %eq3A_18 = arith.cmpi eq, %eq3A_16, %eq3A_17 : vector<2000x64xi32>
    %convert_element_type3A_19 = arith.extui %eq3A_18 : vector<2000x64xi1> to vector<2000x64xi32>
    %convert_element_type3A_20 = arith.sitofp %convert_element_type3A_19 : vector<2000x64xi32> to vector<2000x64xf32>
    %get3A_21 = arith.constant 0 : index
    %get3A_22 = arith.constant 0 : index
    %get3A_23 = vector.load %arg8[%get3A_21, %get3A_22] : memref<64x128xf32, #tpu.memory_space<vmem>>, vector<64x128xf32>
    %dot_general3A = arith.constant dense<0.000000e+00> : vector<64x128xf32>
    %dot_general3A_24 = tpu.matmul %convert_element_type3A_20, %max3A_12, %dot_general3A {dimension_numbers = #tpu.dot_dimension_numbers<[0], [0], [1], [1], [0, 1, 1, 1], [], []>, transpose_lhs_hint = false} : vector<2000x64xf32>, vector<2000x128xf32>, vector<64x128xf32> -> vector<64x128xf32>
    %add3A_25 = arith.addf %get3A_23, %dot_general3A_24 : vector<64x128xf32>
    %swap3A = arith.constant 0 : index
    %swap3A_26 = arith.constant 0 : index
    %swap3A_27 = vector.load %arg8[%swap3A, %swap3A_26] : memref<64x128xf32, #tpu.memory_space<vmem>>, vector<64x128xf32>
    tpu.vector_store %arg8[%swap3A, %swap3A_26], %add3A_25 {strides = array<i32>} : memref<64x128xf32, #tpu.memory_space<vmem>>, vector<64x128xf32>,
    %get3A_28 = arith.constant 0 : index
    %get3A_29 = arith.constant 0 : index
    %get3A_30 = vector.load %arg9[%get3A_28, %get3A_29] : memref<64x128xf32, #tpu.memory_space<vmem>>, vector<64x128xf32>
    %broadcast_in_dim3A = arith.constant 1.000000e+00 : f32
    %broadcast_in_dim3A_31 = vector.broadcast %broadcast_in_dim3A : f32 to vector<2000x128xf32>
    %dot_general3A_32 = arith.constant dense<0.000000e+00> : vector<64x128xf32>
    %dot_general3A_33 = tpu.matmul %convert_element_type3A_20, %broadcast_in_dim3A_31, %dot_general3A_32 {dimension_numbers = #tpu.dot_dimension_numbers<[0], [0], [1], [1], [0, 1, 1, 1], [], []>, transpose_lhs_hint = false} : vector<2000x64xf32>, vector<2000x128xf32>, vector<64x128xf32> -> vector<64x128xf32>
    %add3A_34 = arith.addf %get3A_30, %dot_general3A_33 : vector<64x128xf32>
    %swap3A_35 = arith.constant 0 : index
    %swap3A_36 = arith.constant 0 : index
    %swap3A_37 = vector.load %arg9[%swap3A_35, %swap3A_36] : memref<64x128xf32, #tpu.memory_space<vmem>>, vector<64x128xf32>
    tpu.vector_store %arg9[%swap3A_35, %swap3A_36], %add3A_34 {strides = array<i32>} : memref<64x128xf32, #tpu.memory_space<vmem>>, vector<64x128xf32>,
    %eq3A_38 = arith.constant 4 : i32
    %eq3A_39 = arith.cmpi eq, %arg0, %eq3A_38 : i32
    %convert_element_type3A_40 = arith.extui %eq3A_39 : i1 to i32
    %cond3A_41 = arith.constant 0 : i32
    %cond3A_42 = arith.cmpi ne, %convert_element_type3A_40, %cond3A_41 : i32
    scf.if %cond3A_42 {
      %get3A_43 = arith.constant 0 : index
      %get3A_44 = arith.constant 0 : index
      %get3A_45 = vector.load %arg8[%get3A_43, %get3A_44] : memref<64x128xf32, #tpu.memory_space<vmem>>, vector<64x128xf32>
      %get3A_46 = arith.constant 0 : index
      %get3A_47 = arith.constant 0 : index
      %get3A_48 = vector.load %arg9[%get3A_46, %get3A_47] : memref<64x128xf32, #tpu.memory_space<vmem>>, vector<64x128xf32>
      %max3A_49 = arith.constant 1.000000e+00 : f32
      %max3A_50 = vector.broadcast %max3A_49 : f32 to vector<64x128xf32>
      %max3A_51 = arith.maximumf %get3A_48, %max3A_50 : vector<64x128xf32>
      %div3A = arith.divf %get3A_45, %max3A_51 : vector<64x128xf32>
      %get3A_52 = arith.constant 0 : index
      %get3A_53 = arith.constant 0 : index
      %get3A_54 = vector.load %arg5[%get3A_52, %get3A_53] : memref<128x2xf32, #tpu.memory_space<vmem>>, vector<128x2xf32>
      %dot_general3A_55 = arith.constant dense<0.000000e+00> : vector<64x2xf32>
      %dot_general3A_56 = tpu.matmul %div3A, %get3A_54, %dot_general3A_55 {dimension_numbers = #tpu.dot_dimension_numbers<[1], [0], [0], [1], [0, 0, 1, 1], [], []>, transpose_lhs_hint = false} : vector<64x128xf32>, vector<128x2xf32>, vector<64x2xf32> -> vector<64x2xf32>
      %get3A_57 = arith.constant 0 : index
      %get3A_58 = arith.constant 0 : index
      %get3A_59 = vector.load %arg6[%get3A_57, %get3A_58] : memref<1x2xf32, #tpu.memory_space<vmem>>, vector<1x2xf32>
      %add3A_60 = vector.broadcast %get3A_59 : vector<1x2xf32> to vector<64x2xf32>
      %add3A_61 = arith.addf %dot_general3A_56, %add3A_60 : vector<64x2xf32>
      %reduce_max3A = arith.constant dense<0xFF800000> : vector<64xf32>
      %reduce_max3A_62 = vector.multi_reduction <maximumf>, %add3A_61, %reduce_max3A [1] : vector<64x2xf32> to vector<64xf32>
      %broadcast_in_dim3A_63 = vector.shape_cast %reduce_max3A_62 : vector<64xf32> to vector<64x1xf32>
      %sub3A = vector.broadcast %broadcast_in_dim3A_63 : vector<64x1xf32> to vector<64x2xf32>
      %sub3A_64 = arith.subf %add3A_61, %sub3A : vector<64x2xf32>
      %exp3A = math.exp %sub3A_64 : vector<64x2xf32>
      %reduce_sum3A = arith.constant dense<0.000000e+00> : vector<64xf32>
      %reduce_sum3A_65 = vector.multi_reduction <add>, %exp3A, %reduce_sum3A [1] : vector<64x2xf32> to vector<64xf32>
      %broadcast_in_dim3A_66 = vector.shape_cast %reduce_sum3A_65 : vector<64xf32> to vector<64x1xf32>
      %log3A = math.log %broadcast_in_dim3A_66 : vector<64x1xf32>
      %add3A_67 = arith.addf %broadcast_in_dim3A_63, %log3A : vector<64x1xf32>
      %sub3A_68 = vector.broadcast %add3A_67 : vector<64x1xf32> to vector<64x2xf32>
      %sub3A_69 = arith.subf %add3A_61, %sub3A_68 : vector<64x2xf32>
      %swap3A_70 = arith.constant 0 : index
      %swap3A_71 = arith.constant 0 : index
      %swap3A_72 = vector.load %arg7[%swap3A_70, %swap3A_71] : memref<64x2xf32, #tpu.memory_space<vmem>>, vector<64x2xf32>
      tpu.vector_store %arg7[%swap3A_70, %swap3A_71], %sub3A_69 {strides = array<i32>} : memref<64x2xf32, #tpu.memory_space<vmem>>, vector<64x2xf32>,
    } else {
    }
    return
  }
  func.func @transform_0(%arg0: i32) -> (i32, i32) {
    %c0_i32 = arith.constant 0 : i32
    %c0_i32_0 = arith.constant 0 : i32
    return %arg0, %c0_i32 : i32, i32
  }
  func.func @transform_1(%arg0: i32) -> (i32, i32) {
    %c0_i32 = arith.constant 0 : i32
    %c0_i32_0 = arith.constant 0 : i32
    return %arg0, %c0_i32 : i32, i32
  }
  func.func @transform_2(%arg0: i32) -> (i32, i32) {
    %c0_i32 = arith.constant 0 : i32
    %c0_i32_0 = arith.constant 0 : i32
    return %arg0, %c0_i32 : i32, i32
  }
  func.func @transform_3(%arg0: i32) -> (i32, i32) {
    %c0_i32 = arith.constant 0 : i32
    %c0_i32_0 = arith.constant 0 : i32
    return %arg0, %c0_i32 : i32, i32
  }
  func.func @transform_4(%arg0: i32) -> (i32, i32) {
    %c0_i32 = arith.constant 0 : i32
    %c0_i32_0 = arith.constant 0 : i32
    %c0_i32_1 = arith.constant 0 : i32
    return %c0_i32, %c0_i32_0 : i32, i32
  }
  func.func @transform_5(%arg0: i32) -> (i32, i32) {
    %c0_i32 = arith.constant 0 : i32
    %c0_i32_0 = arith.constant 0 : i32
    %c0_i32_1 = arith.constant 0 : i32
    return %c0_i32, %c0_i32_0 : i32, i32
  }
  func.func @transform_6(%arg0: i32) -> (i32, i32) {
    %c0_i32 = arith.constant 0 : i32
    %c0_i32_0 = arith.constant 0 : i32
    %c0_i32_1 = arith.constant 0 : i32
    return %c0_i32, %c0_i32_0 : i32, i32
  }
}

</mosaic_0001>

<sc_bundles>
// kernel: kernel.10.cloned.1.call-start
scs
__scs_entry_jumppad:
0x0: {  	(pc) =	sbr.rel $0x88, $3  }
0x1: {  	(tag) =	ssettag $0x0;
	lr =	simm.s32 $0x1  }
0x2: {  	[smem:$0x3F9A] =	sst lr;
	_ =	strace $0xD0000000  }
0x3: {  	_ = 	snop  }
0x4: {  	_ = 	snop  }
0x5: {  	_ = 	snop  }
0x6: {  	_ = 	snop  }
0x7: {  	_ = 	snop  }
__scs_overlays_trampoline_lowered:
0x8: {  	[smem:$0x3FA9] =	sst s0  }
0x9: {  	[smem:$0x3FAA] =	sst s1  }
0xa: {  	[smem:$0x3FAB] =	sst s2  }
0xb: {  	[smem:$0x3FAC] =	sst s3  }
0xc: {  	[smem:$0x3FAD] =	sst s4  }
0xd: {  	[smem:$0x3FAE] =	sst s5  }
0xe: {  	[smem:$0x3FAF] =	sst s6  }
0xf: {  	[smem:$0x3FB0] =	sst s7  }
0x10: {  	[smem:$0x3FB1] =	sst s8  }
0x11: {  	[smem:$0x3FB2] =	sst s9;
	s0 =	simm.s32 @!p0 $0x0  }
0x12: {  	s1 =	sld [smem:$0x3F98];
	s0 =	simm.s32 @p0 $0x1  }
0x13: {  	[smem:$0x3FB3] =	sst s0;
	s0 =	simm.s32 @!p1 $0x0  }
0x14: {  	s2 =	sld [smem:$0x3F97];
	s0 =	simm.s32 @p1 $0x1  }
0x15: {  	[smem:$0x3FB4] =	sst s0;
	s0 =	simm.s32 @!p2 $0x0  }
0x16: {  	s3 =	sld [smem:$0x3FDB];
	s0 =	simm.s32 @p2 $0x1  }
0x17: {  	s4 =	simm.s32 $0x1BF5;
	[smem:$0x3FB6] =	sst s0  }
0x18: {  	s0 =	sld [smem:$0x3F99];
	_ =	swait.ge [sflag:s4], $0x0  }
0x19: {  	s7 =	sld [smem:$0x3F9A]  }
0x1a: {  	s8 =	sadd.s32 $0xFFFFE003, lr  }
0x1b: {  	s9 =	sadd.s32 $0xFFFFFEF7, lr;
	s5 =	simm.s32 $0xFFFFFFFF;
	p2 =	slt.u32 s8, $0xFFFFF086  }
0x1c: {  	p1 =	slt.u32 s9, $0xF7A;
	s5 =	simm.s32 @!p2 $0x0  }
0x1d: {  	s5 =	simm.s32 @p1 $0x1;
	p0 =	seq.s32 s7, s2  }
0x1e: {  	s7 =	smul.u32 @!p0 $0xF7A, s2;
	p2 =	seq.s32 @!p0 s5, $0x0  }
0x1f: {  	s9 =	smul.u32 $0xF7A, s1;
	s8 =	simm.s32 @!p0 $0x1BF5;
	p2 =	por !p2, p0  }
0x20: {  	[sflag:s8] =	ssyncset.s32 @!p0 $0xFFFFF086;
	s6 =	sadd.s32 @!p0 s3, s7;
	s7 =	simm.s32 @!p0 $0x108  }
0x21: {  	s3 =	sadd.s32 s3, s9;
	s6 =	sadd.s32 @!p0 $0x88, s6;
	s7 =	simm.s32 @p2 $0x1082  }
0x22: {  	[simem:s7], [sflag:s8] =	dma.local @!p0 [hbm:s6], $0xF7A  }
0x23: {  	s9 =	sor.u32 $0xD0000000, s2;
	s6 =	simm.s32 $0x108;
	_ =	swait.ge @!p0 [sflag:s8], $0x0  }
0x24: {  	s3 =	sadd.s32 $0x88, s3;
	s6 =	simm.s32 @!p1 $0x1082;
	[sflag:s4] =	ssyncset.s32 $0xFFFFF086  }
0x25: {  	[simem:s6], [sflag:s4] =	dma.local [hbm:s3], $0xF7A  }
0x26: {  	[smem:$0x3F9A] =	sst s1;
	(tag) =	ssettag s2;
	_ =	strace s9  }
0x27: {  	s1 =	sld [smem:$0x3FAA]  }
0x28: {  	s2 =	sld [smem:$0x3FAB]  }
0x29: {  	s4 =	sld [smem:$0x3FAD]  }
0x2a: {  	p0 =	seq.s32 s5, $0x0;
	s5 =	sld [smem:$0x3FAE]  }
0x2b: {  	s6 =	sld [smem:$0x3FAF]  }
0x2c: {  	s7 =	sld [smem:$0x3FB0]  }
0x2d: {  	s3 =	simm.s32 $0x108;
	s8 =	sld [smem:$0x3FB1]  }
0x2e: {  	s3 =	simm.s32 @!p0 $0x1082;
	s9 =	sld [smem:$0x3FB2]  }
0x2f: {  	lr =	sadd.s32 s0, s3;
	s0 =	sld [smem:$0x3FA9]  }
0x30: {  	s3 =	sld [smem:$0x3FAC]  }
0x31: {  	[smem:$0x3FB5] =	sst s10  }
0x32: {  	s10 =	sld [smem:$0x3FB3];
	_ =	sdelay $0x3  }
0x33: {  	p0 =	seq.s32 s10, $0x1;
	s10 =	sld [smem:$0x3FB5];
	_ =	sdelay $0x3  }
0x34: {  	[smem:$0x3FB5] =	sst s10  }
0x35: {  	s10 =	sld [smem:$0x3FB4];
	_ =	sdelay $0x3  }
0x36: {  	p1 =	seq.s32 s10, $0x1;
	s10 =	sld [smem:$0x3FB5];
	_ =	sdelay $0x3  }
0x37: {  	[smem:$0x3FB5] =	sst s10  }
0x38: {  	s10 =	sld [smem:$0x3FB6]  }
0x39: {  	_ = 	snop;
	(pc) =	sbr.ind lr, $3  }
0x3a: {  	_ = 	snop  }
0x3b: {  	_ = 	snop  }
0x3c: {  	p2 =	seq.s32 s10, $0x1;
	s10 =	sld [smem:$0x3FB5]  }
0x3d: {  	_ =	shalt  }
0x3e: {  	_ =	shalt  }
0x3f: {  	_ =	shalt  }
0x40: {  	_ =	shalt  }
0x41: {  	_ =	shalt  }
0x42: {  	_ =	shalt  }
0x43: {  	_ =	shalt  }
0x44: {  	_ =	shalt  }
0x45: {  	_ =	shalt  }
0x46: {  	_ =	shalt  }
0x47: {  	_ =	shalt  }
0x48: {  	_ =	shalt  }
0x49: {  	_ =	shalt  }
0x4a: {  	_ =	shalt  }
0x4b: {  	_ =	shalt  }
0x4c: {  	_ =	shalt  }
0x4d: {  	_ =	shalt  }
0x4e: {  	_ =	shalt  }
0x4f: {  	_ =	shalt  }
0x50: {  	_ =	shalt  }
0x51: {  	_ =	shalt  }
0x52: {  	_ =	shalt  }
0x53: {  	_ =	shalt  }
0x54: {  	_ =	shalt  }
0x55: {  	_ =	shalt  }
0x56: {  	_ =	shalt  }
0x57: {  	_ =	shalt  }
0x58: {  	_ =	shalt  }
0x59: {  	_ =	shalt  }
0x5a: {  	_ =	shalt  }
0x5b: {  	_ =	shalt  }
0x5c: {  	_ =	shalt  }
0x5d: {  	_ =	shalt  }
0x5e: {  	_ =	shalt  }
0x5f: {  	_ =	shalt  }
0x60: {  	_ =	shalt  }
0x61: {  	_ =	shalt  }
0x62: {  	_ =	shalt  }
0x63: {  	_ =	shalt  }
0x64: {  	_ =	shalt  }
0x65: {  	_ =	shalt  }
0x66: {  	_ =	shalt  }
0x67: {  	_ =	shalt  }
0x68: {  	_ =	shalt  }
0x69: {  	_ =	shalt  }
0x6a: {  	_ =	shalt  }
0x6b: {  	_ =	shalt  }
0x6c: {  	_ =	shalt  }
0x6d: {  	_ =	shalt  }
0x6e: {  	_ =	shalt  }
0x6f: {  	_ =	shalt  }
0x70: {  	_ =	shalt  }
0x71: {  	_ =	shalt  }
0x72: {  	_ =	shalt  }
0x73: {  	_ =	shalt  }
0x74: {  	_ =	shalt  }
0x75: {  	_ =	shalt  }
0x76: {  	_ =	shalt  }
0x77: {  	_ =	shalt  }
0x78: {  	_ =	shalt  }
0x79: {  	_ =	shalt  }
0x7a: {  	_ =	shalt  }
0x7b: {  	_ =	shalt  }
0x7c: {  	_ =	shalt  }
0x7d: {  	_ =	shalt  }
0x7e: {  	_ =	shalt  }
0x7f: {  	_ =	shalt  }
0x80: {  	_ =	shalt  }
0x81: {  	_ =	shalt  }
0x82: {  	_ =	shalt  }
0x83: {  	_ =	shalt  }
0x84: {  	_ =	shalt  }
0x85: {  	_ =	shalt  }
0x86: {  	_ =	shalt  }
0x87: {  	_ =	shalt  }
.Lfunc_end0:
.L_simem_size_0:
called_computation.1_lowered:
.L_overlay_start_0:
0x88: {  	s2 =	sld [smem:$0x3FD9]  }
0x89: {  	s3 =	sld [smem:$0x3FFE];
	_ =	sdelay $0x1  }
0x8a: {  	s1 =	srdreg.scid  }
0x8b: {  	s0 =	sand.u32 $0x1, s1  }
0x8c: {  	s16 =	sshll.u32 s0, $0xA;
	s2 =	sadd.s32 s3, s2  }
0x8d: {  	s2 =	sadd.s32 s2, s16  }
0x8e: {  	[smem:$0x3FC1] =	sst s2  }
0x8f: {  	_ = 	snop  }
0x90: {  	(tm) =	ssettm $0x1  }
0x91: {  	s17 =	sld [smem:$0x3FFB];
	_ =	sdelay $0x3  }
0x92: {  	_ =	strace s17  }
0x93: {  	s2 =	sld [smem:$0x3FFC];
	_ =	sdelay $0x3  }
0x94: {  	_ =	strace s2  }
0x95: {  	s2 =	sld [smem:$0x3FFD];
	_ =	sdelay $0x3  }
0x96: {  	_ =	strace s2  }
0x97: {  	_ =	strace $0x8FFFFFFF  }
0x98: {  	s18 =	sld [smem:$0x3FDB];
	_ =	sdelay $0x1  }
0x99: {  	s19 =	simm.s32 $_scs_section_size  }
0x9a: {  	s4 =	simm.s32 $_size__tile_overlayer_lowered;
	s5 =	simm.s32 $_tile_overlayer_lowered  }
0x9b: {  	s22 =	simm.s32 $0x1BFF;
	s21 =	sshll.u32 s5, $0x1;
	s2 =	sadd.s32 s19, s18  }
0x9c: {  	s6 =	simm.s32 $0x0;
	s20 =	sshll.u32 s4, $0x1;
	s4 =	sadd.s32 s21, s2  }
0x9d: {  	[timem:s6], [sflag:s22] =	dma.local [hbm:s4], s20  }
0x9e: {  	_ =	swait.ge [sflag:s22], s20  }
0x9f: {  	s3 =	ssub.s32 $0x0, s20;
	[sflag:s22] =	ssyncset.done $0x0  }
0xa0: {  	[sflag:s22] =	ssyncadd.s32 s3;
	_ =	sdelay $0x1  }
0xa1: {  	s23 =	simm.s32 $0x1B8B  }
0xa2: {  	_ =	swait.ge [sflag:s23], $0x1  }
0xa3: {  	[sflag:s23] =	ssyncset.done $0x0  }
0xa4: {  	s25 =	simm.s32 $0x1B8E;
	s24 =	sld [smem:$0x3FFE];
	[sflag:s23] =	ssyncadd.s32 $0xFFFFFFFF  }
0xa5: {  	s26 =	simm.s32 $execute0_lowered;
	[smem:$0x3FD2] =	sst s25  }
0xa6: {  	s4 =	sshll.u32 s26, $0x1;
	_ =	strace $0x80000049;
	[dreg:$0x1] =	wrdreg $0xFFFFFFFF  }
0xa7: {  	s28 =	simm.s32 $_size_execute0_lowered;
	s2 =	sadd.s32 s2, s4;
	[dreg:$0x0] =	wrdreg $0x0  }
0xa8: {  	s4 =	sshll.u32 s28, $0x1;
	[dreg:$0x2] =	wrdreg s2  }
0xa9: {  	[dreg:$0x3] =	wrdreg s4  }
0xaa: {  	[dreg:$0x4] =	wrdreg $0xC0  }
0xab: {  	_ =	task [dreg:s6], $0x5FFFF  }
0xac: {  	[dreg:$0x1] =	wrdreg $0xFFFFFFFF  }
0xad: {  	[dreg:$0x0] =	wrdreg $0x60  }
0xae: {  	[dreg:$0x2] =	wrdreg s24  }
0xaf: {  	[dreg:$0x3] =	wrdreg $0x0  }
0xb0: {  	[dreg:$0x4] =	wrdreg $0x9  }
0xb1: {  	_ =	task.clear_ibuf [dreg:s6], $0x5FFFF;
	_ =	strace $0x90000049  }
0xb2: {  	s29 =	simm.s32 $0x9;
	_ =	strace $0x8000004B  }
0xb3: {  	_ =	swait.ge [sflag:s29], $0x1  }
0xb4: {  	[sflag:s29] =	ssyncadd.s32 $0xFFFFFFFF  }
0xb5: {  	_ =	strace $0x9000004B  }
0xb6: {  	_ =	sfence  }
0xb7: {  	s30 =	sld [smem:$0x0];
	_ =	sdelay $0x2  }
0xb8: {  	s31 =	sshll.u32 s1, $0xD;
	s1 =	sshrl.u32 s1, $0x2  }
0xb9: {  	s3 =	sand.u32 $0x4000, s31;
	s1 =	sadd.s32 s1, s30  }
0xba: {  	s0 =	sor.u32 s3, s0;
	s1 =	sshll.u32 s1, $0x11  }
0xbb: {  	s0 =	sor.u32 s1, s0  }
0xbc: {  	s0 =	sadd.s32 $0x8F2B, s0  }
0xbd: {  	[sflag:s0] =	ssyncadd.remote.s32 $0x1  }
0xbe: {  	_ =	sfence.sel $0xFFFF  }
0xbf: {  	[dreg:$0x0] =	wrdreg $0xFFFFFFFF;
	(pc) =	sbr.abs _section_cstart, $3  }
0xc0: {  	[dreg:$0x1] =	wrdreg $0xFFFFFFFF  }
0xc1: {  	_ =	task.clear_ibuf [dreg:s6], $0x2FFFF;
	_ =	strace $0x9FFFFFFF  }
0xc2: {  	(tm) =	ssettm $0x7FFFFFFF  }
0xc3: {  	_ =	shalt  }
tec
execute0_lowered:
.L_overlay_start_1:
0x0: {  	(tag) =	ssettag $0x1  }
0x1: {  	s0 =	rddreg [dreg:$0x0]  }
0x2: {  	s1 =	rddreg [dreg:$0x1];
	s2 =	srdreg.scid  }
0x3: {  	s18 =	simm.s32 $0x0;
	s12 =	stileid.u32;
	s13 =	simm.s32 $0x9  }
0x4: {  	s14 =	simm.s32 $0x14000;
	s15 =	simm.s32 $0x15400;
	s16 =	simm.s32 $0x40  }
0x5: {  	s17 =	simm.s32 $0x16800;
	s19 =	simm.s32 $0x18800;
	s21 =	simm.s32 $0x1A800  }
0x6: {  	s22 =	simm.s32 $0x1;
	s28 =	simm.s32 $0x5;
	s30 =	simm.s32 $0x3  }
0x7: {  	s2 =	sand.u32 $0x1, s2;
	[smem:$0x7FF] =	sst s18;
	s7 =	smul.u32 $0x14000, s12  }
0x8: {  	s4 =	sadd.s32 $0x39600, s0;
	s5 =	sadd.s32 $0x11600, s0;
	s8 =	smul.u32 $0x50000, s12  }
0x9: {  	s6 =	sadd.s32 $0x25600, s0;
	s9 =	sadd.s32 $0x1A00, s0;
	s10 =	smul.u32 $0x2800, s12  }
0xa: {  	s26 =	sshll.u32 s12, $0x1;
	s31 =	sshll.u32 s12, $0x6;
	s12 =	simm.s32 $0x8  }
0xb: {  	s3 =	smul.u32 $0x140000, s2;
	_ =	strace $0x8000004A;
	s24 =	ssub.s32 $0x2, s2  }
0xc: {  	p0 =	sne.s32 s2, $0x0;
	s20 =	sor.u32 $0x1C09, s31;
	s25 =	sshrl.u32 s24, $0x1  }
0xd: {  	s8 =	sshrl.u32 s8, $0x2;
	s10 =	sadd.s32 s4, s10;
	[dreg:$0x7] =	wrdreg s20  }
0xe: {  	s3 =	sadd.s32 s7, s3;
	s7 =	sor.u32 s2, s26;
	s11 =	sadd.s32 s8, s1  }
0xf: {  	s10 =	smov.u32 @p0 s9;
	s2 =	simm.s32 $0x14280;
	s9 =	simm.s32 $0x4  }
0x10: {  	s3 =	sshrl.u32 s3, $0x3;
	s8 =	smul.u32 $0x5000, s7;
	[dreg:$0x4] =	wrdreg s10  }
.Ltmp0:
0x11: {  	s23 =	sshrl.u32 s11, $0x3;
	s10 =	simm.s32 $0x15580;
	(pc) =	sbr.rel .LBB2_1-.Ltmp0, $4  }
0x12: {  	s7 =	simm.s32 $0x7;
	s11 =	simm.s32 $0x14300;
	s0 =	sadd.s32 s3, s0  }
0x13: {  	s3 =	ssub.s32 s24, s25;
	[dreg:$0x8] =	wrdreg s23;
	s0 =	sadd.s32 $0x61600, s0  }
0x14: {  	s24 =	simm.s32 $0x1C800;
	s29 =	smax.u32 s3, $0x1;
	[dreg:$0x5] =	wrdreg s0  }
0x15: {  	s25 =	simm.s32 $0x2;
	[dreg:$0x6] =	wrdreg s29;
	s0 =	simm.s32 $0x6  }
.LBB2_6:
0x16: {  	[bflag:$0x0] =	sbarrier.arrive $0xFFFF  }
0x17: {  	s3 =	rddreg [dreg:$0x5]  }
0x18: {  	s20 =	rddreg [dreg:$0x7]  }
0x19: {  	s23 =	rddreg [dreg:$0x8]  }
0x1a: {  	[hbm:s3], [sflag:s20] =	dma.local [spmem:s23], $0x2800  }
0x1b: {  	_ =	swait.ge [sflag:s13], $0x2800  }
0x1c: {  	s18 =	rddreg [dreg:$0x3]  }
0x1d: {  	s31 =	rddreg [dreg:$0x6];
	s18 =	sadd.s32 $0x1, s18  }
0x1e: {  	p0 =	sne.s32 s18, s31  }
.Ltmp1:
0x1f: {  	_ = 	snop;
	(pc) =	sbr.rel @!p0 .LBB2_7-.Ltmp1, $3  }
0x20: {  	_ =	sdelay $0x1  }
0x21: {  	[sflag:s13] =	ssyncset.done $0x0  }
0x22: {  	[sflag:s13] =	ssyncadd.s32 $0xFFFFD800  }
.LBB2_1:
0x23: {  	[dreg:$0x3] =	wrdreg s18  }
0x24: {  	s3 =	rddreg [dreg:$0x4]  }
0x25: {  	[spmem:s23], [sflag:s20] =	dma.local [hbm:s3], $0x2800  }
.Ltmp2:
0x26: {  	_ =	swait.ge [sflag:s13], $0x2800;
	(pc) =	sbr.rel .LBB2_2-.Ltmp2, $4  }
0x27: {  	[sflag:s13] =	ssyncset.done $0x0  }
0x28: {  	[sflag:s13] =	ssyncadd.s32 $0xFFFFD800  }
0x29: {  	[bflag:$0x0] =	sbarrier.arrive $0xFFFF  }
0x2a: {  	s3 =	simm.s32 $0x0  }
.LBB2_5:
0x2b: {  	s3 =	sadd.s32 $0x1, s3  }
0x2c: {  	p0 =	sne.s32 s3, $0x4  }
.Ltmp3:
0x2d: {  	_ = 	snop;
	(pc) =	sbr.rel @!p0 .LBB2_6-.Ltmp3, $4  }
0x2e: {  	_ = 	snop  }
0x2f: {  	_ =	swait.ge [sflag:s12], $0x2000  }
0x30: {  	[sflag:s12] =	ssyncset.done $0x0  }
0x31: {  	[sflag:s12] =	ssyncadd.s32 $0xFFFFE000  }
.LBB2_2:
0x32: {  	s18 =	smul.u32 $0x1400, s3;
	_ =	sdelay $0x1  }
0x33: {  	s18 =	sadd.s32 s8, s18  }
0x34: {  	s20 =	sshrl.u32 s18, $0x3  }
0x35: {  	s18 =	simm.s32 $0x0;
	s23 =	sadd.s32 s5, s20  }
0x36: {  	[tilespmem:s14], [sflag:$0x9] =	stream.linear.gather [hbm4b:s23+s18], $0x1400, $0x38;
	[tilespmem:$0x1E800] =	vst v63  }
0x37: {  	_ =	swait.ge [sflag:s13], $0x1400  }
0x38: {  	[sflag:s13] =	ssyncset.done $0x0  }
0x39: {  	s20 =	sadd.s32 s6, s20;
	[sflag:s13] =	ssyncadd.s32 $0xFFFFEC00  }
0x3a: {  	[tilespmem:s15], [sflag:$0x9] =	stream.linear.gather [hbm4b:s20+s18], $0x1400, $0x38;
	[tilespmem:$0x1E800] =	vst v63  }
0x3b: {  	_ =	swait.ge [sflag:s13], $0x1400  }
0x3c: {  	[sflag:s13] =	ssyncset.done $0x0  }
0x3d: {  	[sflag:s13] =	ssyncadd.s32 $0xFFFFEC00  }
0x3e: {  	[tilespmem:s17], [sflag:$0x1] =	stream.indirect.gather [hbm4b:s4+s16], $0x80, s14, s16, $0xb8;
	[tilespmem:$0x1E800] =	vst v63  }
0x3f: {  	s29 =	simm.s32 $0x14080  }
0x40: {  	[tilespmem:s19], [sflag:$0x2] =	stream.indirect.gather [hbm4b:s4+s16], $0x80, s29, s16, $0xb8;
	[tilespmem:$0x1E800] =	vst v63  }
0x41: {  	s31 =	simm.s32 $0x14100  }
0x42: {  	[tilespmem:s21], [sflag:$0x3] =	stream.indirect.gather [hbm4b:s4+s16], $0x80, s31, s16, $0xb8;
	[tilespmem:$0x1E800] =	vst v63  }
0x43: {  	_ =	swait.ge [sflag:s22], $0x2000  }
0x44: {  	[sflag:s22] =	ssyncset.done $0x0  }
0x45: {  	[sflag:s22] =	ssyncadd.s32 $0xFFFFE000  }
0x46: {  	[spmem:s1] =	stream.indirect.scatter.add.f32 [tilespmem:s17], [sflag:$0x5], $0x80, s15, s16, $0xb8;
	[tilespmem:$0x1E800] =	vst v63  }
0x47: {  	s23 =	simm.s32 $0x14180  }
0x48: {  	[tilespmem:s24], [sflag:$0x4] =	stream.indirect.gather [hbm4b:s4+s16], $0x80, s23, s16, $0xb8;
	[tilespmem:$0x1E800] =	vst v63  }
0x49: {  	_ =	swait.ge [sflag:s25], $0x2000  }
0x4a: {  	[sflag:s25] =	ssyncset.done $0x0  }
0x4b: {  	s26 =	simm.s32 $0x15480;
	[sflag:s25] =	ssyncadd.s32 $0xFFFFE000  }
0x4c: {  	[spmem:s1] =	stream.indirect.scatter.add.f32 [tilespmem:s19], [sflag:$0x6], $0x80, s26, s16, $0xb8;
	[tilespmem:$0x1E800] =	vst v63  }
0x4d: {  	_ =	swait.ge [sflag:s28], $0x2000  }
0x4e: {  	[sflag:s28] =	ssyncset.done $0x0  }
0x4f: {  	s29 =	simm.s32 $0x14200;
	[sflag:s28] =	ssyncadd.s32 $0xFFFFE000  }
0x50: {  	[tilespmem:s17], [sflag:$0x1] =	stream.indirect.gather [hbm4b:s4+s16], $0x80, s29, s16, $0xb8;
	[tilespmem:$0x1E800] =	vst v63  }
0x51: {  	_ =	swait.ge [sflag:s30], $0x2000  }
0x52: {  	[sflag:s30] =	ssyncset.done $0x0  }
0x53: {  	s31 =	simm.s32 $0x15500;
	[sflag:s30] =	ssyncadd.s32 $0xFFFFE000  }
0x54: {  	[spmem:s1] =	stream.indirect.scatter.add.f32 [tilespmem:s21], [sflag:$0x7], $0x80, s31, s16, $0xb8;
	[tilespmem:$0x1E800] =	vst v63  }
0x55: {  	_ =	swait.ge [sflag:s0], $0x2000  }
0x56: {  	[sflag:s0] =	ssyncset.done $0x0  }
0x57: {  	[sflag:s0] =	ssyncadd.s32 $0xFFFFE000  }
0x58: {  	[tilespmem:s19], [sflag:$0x2] =	stream.indirect.gather [hbm4b:s4+s16], $0x80, s2, s16, $0xb8;
	[tilespmem:$0x1E800] =	vst v63  }
0x59: {  	_ =	swait.ge [sflag:s9], $0x2000  }
0x5a: {  	[sflag:s9] =	ssyncset.done $0x0  }
0x5b: {  	[sflag:s9] =	ssyncadd.s32 $0xFFFFE000  }
0x5c: {  	[spmem:s1] =	stream.indirect.scatter.add.f32 [tilespmem:s24], [sflag:$0x8], $0x80, s10, s16, $0xb8;
	[tilespmem:$0x1E800] =	vst v63  }
0x5d: {  	_ =	swait.ge [sflag:s7], $0x2000  }
0x5e: {  	[sflag:s7] =	ssyncset.done $0x0  }
0x5f: {  	[sflag:s7] =	ssyncadd.s32 $0xFFFFE000  }
0x60: {  	[tilespmem:s21], [sflag:$0x3] =	stream.indirect.gather [hbm4b:s4+s16], $0x80, s11, s16, $0xb8;
	[tilespmem:$0x1E800] =	vst v63  }
.LBB2_3:
0x61: {  	_ =	swait.ge [sflag:s22], $0x2000  }
0x62: {  	s20 =	sshra.s32 s18, $0x2;
	[sflag:s22] =	ssyncset.done $0x0  }
0x63: {  	s23 =	sadd.s32 $0x15600, s20;
	[sflag:s22] =	ssyncadd.s32 $0xFFFFE000  }
0x64: {  	[spmem:s1] =	stream.indirect.scatter.add.f32 [tilespmem:s17], [sflag:$0x5], $0x80, s23, s16, $0xb8;
	[tilespmem:$0x1E800] =	vst v63  }
0x65: {  	_ =	swait.ge [sflag:s12], $0x2000  }
0x66: {  	[sflag:s12] =	ssyncset.done $0x0  }
0x67: {  	s26 =	sadd.s32 $0x14380, s20;
	[sflag:s12] =	ssyncadd.s32 $0xFFFFE000  }
0x68: {  	[tilespmem:s24], [sflag:$0x4] =	stream.indirect.gather [hbm4b:s4+s16], $0x80, s26, s16, $0xb8;
	[tilespmem:$0x1E800] =	vst v63  }
0x69: {  	_ =	swait.ge [sflag:s25], $0x2000  }
0x6a: {  	[sflag:s25] =	ssyncset.done $0x0  }
0x6b: {  	s29 =	sadd.s32 $0x15680, s20;
	[sflag:s25] =	ssyncadd.s32 $0xFFFFE000  }
0x6c: {  	[spmem:s1] =	stream.indirect.scatter.add.f32 [tilespmem:s19], [sflag:$0x6], $0x80, s29, s16, $0xb8;
	[tilespmem:$0x1E800] =	vst v63  }
0x6d: {  	_ =	swait.ge [sflag:s28], $0x2000  }
0x6e: {  	p0 =	seq.s32 s18, $0x4000;
	[sflag:s28] =	ssyncset.done $0x0  }
0x6f: {  	s23 =	simm.s32 @p0 $0x3;
	[sflag:s28] =	ssyncadd.s32 $0xFFFFE000  }
0x70: {  	_ =	swait.ge @p0 [sflag:s23], $0x2000  }
0x71: {  	[sflag:s23] =	ssyncset.done @p0 $0x0  }
0x72: {  	[sflag:s23] =	ssyncadd.s32 @p0 $0xFFFFE000;
	s23 =	sshra.s32 @p0 s18, $0x2  }
0x73: {  	s26 =	simm.s32 @p0 $0x40;
	s29 =	simm.s32 @p0 $0x1A800;
	s23 =	sadd.s32 @p0 $0x15700, s23  }
0x74: {  	[spmem:s1] =	stream.indirect.scatter.add.f32 @p0 [tilespmem:s29], [sflag:$0x7], $0x80, s23, s26, $0xb8;
	[tilespmem:$0x1E800] =	vst v63  }
0x75: {  	s23 =	simm.s32 @p0 $0x6  }
0x76: {  	_ =	swait.ge @p0 [sflag:s23], $0x2000  }
0x77: {  	[sflag:s23] =	ssyncset.done @p0 $0x0  }
0x78: {  	[sflag:s23] =	ssyncadd.s32 @p0 $0xFFFFE000;
	s23 =	sshra.s32 @!p0 s18, $0x2  }
0x79: {  	s31 =	simm.s32 @!p0 $0x16800;
	s29 =	simm.s32 @!p0 $0x40;
	s26 =	sadd.s32 @!p0 $0x14400, s23  }
0x7a: {  	[tilespmem:s31], [sflag:$0x1] =	stream.indirect.gather @!p0 [hbm4b:s4+s29], $0x80, s26, s29, $0xb8;
	[tilespmem:$0x1E800] =	vst v63  }
0x7b: {  	s26 =	simm.s32 @!p0 $0x3  }
0x7c: {  	_ =	swait.ge @!p0 [sflag:s26], $0x2000  }
0x7d: {  	[sflag:s26] =	ssyncset.done @!p0 $0x0  }
0x7e: {  	s31 =	simm.s32 @!p0 $0x1A800;
	[sflag:s26] =	ssyncadd.s32 @!p0 $0xFFFFE000;
	s26 =	sadd.s32 @!p0 $0x15700, s23  }
0x7f: {  	[spmem:s1] =	stream.indirect.scatter.add.f32 @!p0 [tilespmem:s31], [sflag:$0x7], $0x80, s26, s29, $0xb8;
	[tilespmem:$0x1E800] =	vst v63  }
0x80: {  	s26 =	simm.s32 @!p0 $0x6  }
0x81: {  	_ =	swait.ge @!p0 [sflag:s26], $0x2000  }
0x82: {  	[sflag:s26] =	ssyncset.done @!p0 $0x0  }
0x83: {  	s23 =	sadd.s32 @!p0 $0x14480, s23;
	[sflag:s26] =	ssyncadd.s32 @!p0 $0xFFFFE000;
	s26 =	simm.s32 @!p0 $0x18800  }
0x84: {  	[tilespmem:s26], [sflag:$0x2] =	stream.indirect.gather @!p0 [hbm4b:s4+s29], $0x80, s23, s29, $0xb8;
	[tilespmem:$0x1E800] =	vst v63  }
0x85: {  	_ =	swait.ge [sflag:s9], $0x2000  }
0x86: {  	[sflag:s9] =	ssyncset.done $0x0  }
.Ltmp4:
0x87: {  	s31 =	sadd.s32 $0x15780, s20;
	[sflag:s9] =	ssyncadd.s32 $0xFFFFE000;
	(pc) =	sbr.rel @p0 .LBB2_5-.Ltmp4, $4  }
0x88: {  	[spmem:s1] =	stream.indirect.scatter.add.f32 [tilespmem:s24], [sflag:$0x8], $0x80, s31, s16, $0xb8;
	[tilespmem:$0x1E800] =	vst v63  }
0x89: {  	_ =	swait.ge [sflag:s7], $0x2000  }
0x8a: {  	[sflag:s7] =	ssyncset.done $0x0  }
0x8b: {  	[sflag:s7] =	ssyncadd.s32 $0xFFFFE000  }
.Ltmp5:
0x8c: {  	(pc) =	sbr.rel .LBB2_3-.Ltmp5, $3  }
0x8d: {  	_ =	sdelay $0x1  }
0x8e: {  	s20 =	sadd.s32 $0x14500, s20;
	s18 =	sadd.s32 $0x800, s18  }
0x8f: {  	[tilespmem:s21], [sflag:$0x3] =	stream.indirect.gather [hbm4b:s4+s16], $0x80, s20, s16, $0xb8;
	[tilespmem:$0x1E800] =	vst v63  }
.LBB2_7:
0x90: {  	_ =	sfence.sel $0x180000  }
0x91: {  	[bflag:$0x0] =	sbarrier.arrive $0xFFFF  }
0x92: {  	_ =	strace $0x9000004A  }
0x93: {  	s0 =	stileid.u32;
	[bflag:$0x2] =	sbarrier.arrive $0xFFFF  }
0x94: {  	p0 =	sne.s32 s0, $0x0;
	s0 =	rddreg [dreg:$0x2]  }
0x95: {  	s0 =	sadd.s32 @!p0 $0x100000, s0  }
0x96: {  	[sflag:s0] =	ssyncadd.tile.s32 @!p0 $0x1;
	_ =	shalt  }
.Lfunc_end2:
_tile_overlayer_lowered:
.L_overlay_start_2:
0x97: {  	(tag) =	ssettag $0x2  }
0x98: {  	s0 =	rddreg [dreg:$0x0];
	s2 =	stileid.u32  }
0x99: {  	s1 =	rddreg [dreg:$0x1];
	p0 =	sne.s32 s2, $0x0  }
0x9a: {  	s3 =	rddreg [dreg:$0x2];
	[bflag:$0x3] =	sbarrier.arrive $0xFFFF;
	s2 =	simm.s32 @!p0 $0x1C09  }
0x9b: {  	[timem:s3], [sflag:s2] =	dma.local @!p0 [hbm:s0], s1  }
0x9c: {  	s0 =	simm.s32 @!p0 $0x9  }
0x9d: {  	_ =	swait.ge @!p0 [sflag:s0], s1  }
0x9e: {  	s1 =	ssub.s32 @!p0 $0x0, s1;
	[sflag:s0] =	ssyncset.done @!p0 $0x0  }
0x9f: {  	[sflag:s0] =	ssyncadd.s32 @!p0 s1  }
0xa0: {  	[bflag:$0x3] =	sbarrier.arrive $0xFFFF  }
0xa1: {  	_ =	shalt  }

// kernel: kernel.7.cloned.1.call-start
scs
__scs_entry_jumppad:
0x0: {  	(pc) =	sbr.rel $0x88, $3  }
0x1: {  	(tag) =	ssettag $0x0;
	lr =	simm.s32 $0x1  }
0x2: {  	[smem:$0x3F9A] =	sst lr;
	_ =	strace $0xD0000000  }
0x3: {  	_ = 	snop  }
0x4: {  	_ = 	snop  }
0x5: {  	_ = 	snop  }
0x6: {  	_ = 	snop  }
0x7: {  	_ = 	snop  }
__scs_overlays_trampoline_lowered:
0x8: {  	[smem:$0x3FA9] =	sst s0  }
0x9: {  	[smem:$0x3FAA] =	sst s1  }
0xa: {  	[smem:$0x3FAB] =	sst s2  }
0xb: {  	[smem:$0x3FAC] =	sst s3  }
0xc: {  	[smem:$0x3FAD] =	sst s4  }
0xd: {  	[smem:$0x3FAE] =	sst s5  }
0xe: {  	[smem:$0x3FAF] =	sst s6  }
0xf: {  	[smem:$0x3FB0] =	sst s7  }
0x10: {  	[smem:$0x3FB1] =	sst s8  }
0x11: {  	[smem:$0x3FB2] =	sst s9;
	s0 =	simm.s32 @!p0 $0x0  }
0x12: {  	s1 =	sld [smem:$0x3F98];
	s0 =	simm.s32 @p0 $0x1  }
0x13: {  	[smem:$0x3FB3] =	sst s0;
	s0 =	simm.s32 @!p1 $0x0  }
0x14: {  	s2 =	sld [smem:$0x3F97];
	s0 =	simm.s32 @p1 $0x1  }
0x15: {  	[smem:$0x3FB4] =	sst s0;
	s0 =	simm.s32 @!p2 $0x0  }
0x16: {  	s3 =	sld [smem:$0x3FDB];
	s0 =	simm.s32 @p2 $0x1  }
0x17: {  	s4 =	simm.s32 $0x1BF5;
	[smem:$0x3FB6] =	sst s0  }
0x18: {  	s0 =	sld [smem:$0x3F99];
	_ =	swait.ge [sflag:s4], $0x0  }
0x19: {  	s7 =	sld [smem:$0x3F9A]  }
0x1a: {  	s8 =	sadd.s32 $0xFFFFE003, lr  }
0x1b: {  	s9 =	sadd.s32 $0xFFFFFEF7, lr;
	s5 =	simm.s32 $0xFFFFFFFF;
	p2 =	slt.u32 s8, $0xFFFFF086  }
0x1c: {  	p1 =	slt.u32 s9, $0xF7A;
	s5 =	simm.s32 @!p2 $0x0  }
0x1d: {  	s5 =	simm.s32 @p1 $0x1;
	p0 =	seq.s32 s7, s2  }
0x1e: {  	s7 =	smul.u32 @!p0 $0xF7A, s2;
	p2 =	seq.s32 @!p0 s5, $0x0  }
0x1f: {  	s9 =	smul.u32 $0xF7A, s1;
	s8 =	simm.s32 @!p0 $0x1BF5;
	p2 =	por !p2, p0  }
0x20: {  	[sflag:s8] =	ssyncset.s32 @!p0 $0xFFFFF086;
	s6 =	sadd.s32 @!p0 s3, s7;
	s7 =	simm.s32 @!p0 $0x108  }
0x21: {  	s3 =	sadd.s32 s3, s9;
	s6 =	sadd.s32 @!p0 $0x88, s6;
	s7 =	simm.s32 @p2 $0x1082  }
0x22: {  	[simem:s7], [sflag:s8] =	dma.local @!p0 [hbm:s6], $0xF7A  }
0x23: {  	s9 =	sor.u32 $0xD0000000, s2;
	s6 =	simm.s32 $0x108;
	_ =	swait.ge @!p0 [sflag:s8], $0x0  }
0x24: {  	s3 =	sadd.s32 $0x88, s3;
	s6 =	simm.s32 @!p1 $0x1082;
	[sflag:s4] =	ssyncset.s32 $0xFFFFF086  }
0x25: {  	[simem:s6], [sflag:s4] =	dma.local [hbm:s3], $0xF7A  }
0x26: {  	[smem:$0x3F9A] =	sst s1;
	(tag) =	ssettag s2;
	_ =	strace s9  }
0x27: {  	s1 =	sld [smem:$0x3FAA]  }
0x28: {  	s2 =	sld [smem:$0x3FAB]  }
0x29: {  	s4 =	sld [smem:$0x3FAD]  }
0x2a: {  	p0 =	seq.s32 s5, $0x0;
	s5 =	sld [smem:$0x3FAE]  }
0x2b: {  	s6 =	sld [smem:$0x3FAF]  }
0x2c: {  	s7 =	sld [smem:$0x3FB0]  }
0x2d: {  	s3 =	simm.s32 $0x108;
	s8 =	sld [smem:$0x3FB1]  }
0x2e: {  	s3 =	simm.s32 @!p0 $0x1082;
	s9 =	sld [smem:$0x3FB2]  }
0x2f: {  	lr =	sadd.s32 s0, s3;
	s0 =	sld [smem:$0x3FA9]  }
0x30: {  	s3 =	sld [smem:$0x3FAC]  }
0x31: {  	[smem:$0x3FB5] =	sst s10  }
0x32: {  	s10 =	sld [smem:$0x3FB3];
	_ =	sdelay $0x3  }
0x33: {  	p0 =	seq.s32 s10, $0x1;
	s10 =	sld [smem:$0x3FB5];
	_ =	sdelay $0x3  }
0x34: {  	[smem:$0x3FB5] =	sst s10  }
0x35: {  	s10 =	sld [smem:$0x3FB4];
	_ =	sdelay $0x3  }
0x36: {  	p1 =	seq.s32 s10, $0x1;
	s10 =	sld [smem:$0x3FB5];
	_ =	sdelay $0x3  }
0x37: {  	[smem:$0x3FB5] =	sst s10  }
0x38: {  	s10 =	sld [smem:$0x3FB6]  }
0x39: {  	_ = 	snop;
	(pc) =	sbr.ind lr, $3  }
0x3a: {  	_ = 	snop  }
0x3b: {  	_ = 	snop  }
0x3c: {  	p2 =	seq.s32 s10, $0x1;
	s10 =	sld [smem:$0x3FB5]  }
0x3d: {  	_ =	shalt  }
0x3e: {  	_ =	shalt  }
0x3f: {  	_ =	shalt  }
0x40: {  	_ =	shalt  }
0x41: {  	_ =	shalt  }
0x42: {  	_ =	shalt  }
0x43: {  	_ =	shalt  }
0x44: {  	_ =	shalt  }
0x45: {  	_ =	shalt  }
0x46: {  	_ =	shalt  }
0x47: {  	_ =	shalt  }
0x48: {  	_ =	shalt  }
0x49: {  	_ =	shalt  }
0x4a: {  	_ =	shalt  }
0x4b: {  	_ =	shalt  }
0x4c: {  	_ =	shalt  }
0x4d: {  	_ =	shalt  }
0x4e: {  	_ =	shalt  }
0x4f: {  	_ =	shalt  }
0x50: {  	_ =	shalt  }
0x51: {  	_ =	shalt  }
0x52: {  	_ =	shalt  }
0x53: {  	_ =	shalt  }
0x54: {  	_ =	shalt  }
0x55: {  	_ =	shalt  }
0x56: {  	_ =	shalt  }
0x57: {  	_ =	shalt  }
0x58: {  	_ =	shalt  }
0x59: {  	_ =	shalt  }
0x5a: {  	_ =	shalt  }
0x5b: {  	_ =	shalt  }
0x5c: {  	_ =	shalt  }
0x5d: {  	_ =	shalt  }
0x5e: {  	_ =	shalt  }
0x5f: {  	_ =	shalt  }
0x60: {  	_ =	shalt  }
0x61: {  	_ =	shalt  }
0x62: {  	_ =	shalt  }
0x63: {  	_ =	shalt  }
0x64: {  	_ =	shalt  }
0x65: {  	_ =	shalt  }
0x66: {  	_ =	shalt  }
0x67: {  	_ =	shalt  }
0x68: {  	_ =	shalt  }
0x69: {  	_ =	shalt  }
0x6a: {  	_ =	shalt  }
0x6b: {  	_ =	shalt  }
0x6c: {  	_ =	shalt  }
0x6d: {  	_ =	shalt  }
0x6e: {  	_ =	shalt  }
0x6f: {  	_ =	shalt  }
0x70: {  	_ =	shalt  }
0x71: {  	_ =	shalt  }
0x72: {  	_ =	shalt  }
0x73: {  	_ =	shalt  }
0x74: {  	_ =	shalt  }
0x75: {  	_ =	shalt  }
0x76: {  	_ =	shalt  }
0x77: {  	_ =	shalt  }
0x78: {  	_ =	shalt  }
0x79: {  	_ =	shalt  }
0x7a: {  	_ =	shalt  }
0x7b: {  	_ =	shalt  }
0x7c: {  	_ =	shalt  }
0x7d: {  	_ =	shalt  }
0x7e: {  	_ =	shalt  }
0x7f: {  	_ =	shalt  }
0x80: {  	_ =	shalt  }
0x81: {  	_ =	shalt  }
0x82: {  	_ =	shalt  }
0x83: {  	_ =	shalt  }
0x84: {  	_ =	shalt  }
0x85: {  	_ =	shalt  }
0x86: {  	_ =	shalt  }
0x87: {  	_ =	shalt  }
.Lfunc_end0:
.L_simem_size_0:
called_computation_lowered:
.L_overlay_start_0:
0x88: {  	s2 =	sld [smem:$0x3FD9]  }
0x89: {  	s3 =	sld [smem:$0x3FFE];
	_ =	sdelay $0x1  }
0x8a: {  	s1 =	srdreg.scid  }
0x8b: {  	s0 =	sand.u32 $0x1, s1  }
0x8c: {  	s17 =	sshll.u32 s0, $0xA;
	s2 =	sadd.s32 s3, s2  }
0x8d: {  	s2 =	sadd.s32 s2, s17  }
0x8e: {  	[smem:$0x3FC1] =	sst s2  }
0x8f: {  	_ = 	snop  }
0x90: {  	s2 =	sld [smem:$0x3FD0];
	(tm) =	ssettm $0x1  }
0x91: {  	s18 =	sld [smem:$0x3FFB];
	_ =	sdelay $0x3  }
0x92: {  	_ =	strace s18  }
0x93: {  	s3 =	sld [smem:$0x3FFC];
	_ =	sdelay $0x3  }
0x94: {  	_ =	strace s3  }
0x95: {  	s3 =	sld [smem:$0x3FFD];
	_ =	sdelay $0x3  }
0x96: {  	_ =	strace s3  }
0x97: {  	_ =	strace $0x8FFFFFFF  }
0x98: {  	s19 =	sld [smem:$0x3FDB];
	_ =	sdelay $0x1  }
0x99: {  	s4 =	simm.s32 $_scs_section_size  }
0x9a: {  	s5 =	simm.s32 $_size__tile_overlayer_lowered;
	s6 =	simm.s32 $_tile_overlayer_lowered  }
0x9b: {  	s22 =	simm.s32 $0x1BFF;
	s21 =	sshll.u32 s6, $0x1;
	s3 =	sadd.s32 s4, s19  }
0x9c: {  	s7 =	simm.s32 $0x0;
	s20 =	sshll.u32 s5, $0x1;
	s5 =	sadd.s32 s21, s3  }
0x9d: {  	[timem:s7], [sflag:s22] =	dma.local [hbm:s5], s20  }
0x9e: {  	_ =	swait.ge [sflag:s22], s20  }
0x9f: {  	s4 =	ssub.s32 $0x0, s20;
	[sflag:s22] =	ssyncset.done $0x0  }
0xa0: {  	[sflag:s22] =	ssyncadd.s32 s4;
	_ =	sdelay $0x1  }
0xa1: {  	s23 =	simm.s32 $0x1B8B  }
0xa2: {  	_ =	swait.ge [sflag:s23], $0x1  }
0xa3: {  	[sflag:s23] =	ssyncset.done $0x0  }
0xa4: {  	s25 =	simm.s32 $0x1B8E;
	s24 =	sld [smem:$0x3FFE];
	[sflag:s23] =	ssyncadd.s32 $0xFFFFFFFF  }
0xa5: {  	s26 =	simm.s32 $execute0_lowered;
	[smem:$0x3FD2] =	sst s25  }
0xa6: {  	s5 =	sshll.u32 s26, $0x1;
	_ =	strace $0x80000046;
	[dreg:$0x1] =	wrdreg $0xFFFFFFFF  }
0xa7: {  	s28 =	simm.s32 $_size_execute0_lowered;
	s3 =	sadd.s32 s3, s5;
	[dreg:$0x0] =	wrdreg $0x0  }
0xa8: {  	s5 =	sshll.u32 s28, $0x1;
	[dreg:$0x2] =	wrdreg s3  }
0xa9: {  	[dreg:$0x3] =	wrdreg s5  }
0xaa: {  	[dreg:$0x4] =	wrdreg $0xC0  }
0xab: {  	_ =	task [dreg:s7], $0x5FFFF  }
0xac: {  	[dreg:$0x1] =	wrdreg $0xFFFFFFFF  }
0xad: {  	[dreg:$0x0] =	wrdreg $0x60  }
0xae: {  	[dreg:$0x2] =	wrdreg s24  }
0xaf: {  	[dreg:$0x3] =	wrdreg s2  }
0xb0: {  	[dreg:$0x4] =	wrdreg $0x0  }
0xb1: {  	[dreg:$0x5] =	wrdreg $0x9  }
0xb2: {  	_ =	task.clear_ibuf [dreg:s7], $0x6FFFF;
	_ =	strace $0x90000046  }
0xb3: {  	s29 =	simm.s32 $0x9;
	_ =	strace $0x80000048  }
0xb4: {  	_ =	swait.ge [sflag:s29], $0x1  }
0xb5: {  	[sflag:s29] =	ssyncadd.s32 $0xFFFFFFFF  }
0xb6: {  	_ =	strace $0x90000048  }
0xb7: {  	_ =	sfence  }
0xb8: {  	s30 =	sld [smem:$0x0];
	_ =	sdelay $0x2  }
0xb9: {  	s31 =	sshll.u32 s1, $0xD;
	s1 =	sshrl.u32 s1, $0x2  }
0xba: {  	s3 =	sand.u32 $0x4000, s31;
	s1 =	sadd.s32 s1, s30  }
0xbb: {  	s0 =	sor.u32 s3, s0;
	s1 =	sshll.u32 s1, $0x11  }
0xbc: {  	s0 =	sor.u32 s1, s0  }
0xbd: {  	s0 =	sadd.s32 $0x8F2B, s0  }
0xbe: {  	[sflag:s0] =	ssyncadd.remote.s32 $0x1  }
0xbf: {  	_ =	sfence.sel $0xFFFF  }
0xc0: {  	[dreg:$0x0] =	wrdreg $0xFFFFFFFF;
	(pc) =	sbr.abs _section_cstart, $3  }
0xc1: {  	[dreg:$0x1] =	wrdreg $0xFFFFFFFF  }
0xc2: {  	_ =	task.clear_ibuf [dreg:s7], $0x2FFFF;
	_ =	strace $0x9FFFFFFF  }
0xc3: {  	(tm) =	ssettm $0x7FFFFFFF  }
tec
execute0_lowered:
.L_overlay_start_1:
0x0: {  	(tag) =	ssettag $0x1  }
0x1: {  	s7 =	rddreg [dreg:$0x0]  }
0x2: {  	s2 =	rddreg [dreg:$0x1]  }
0x3: {  	s3 =	rddreg [dreg:$0x2]  }
0x4: {  	s0 =	rddreg [dreg:$0x3];
	s5 =	srdreg.scid  }
0x5: {  	s1 =	stileid.u32;
	s4 =	simm.s32 $0x0;
	s12 =	simm.s32 $0x2  }
0x6: {  	s13 =	simm.s32 $0xE80;
	s14 =	simm.s32 $0x64;
	s15 =	simm.s32 $0x1  }
0x7: {  	s16 =	simm.s32 $0x20;
	s17 =	simm.s32 $0x10;
	s18 =	simm.s32 $0x0  }
0x8: {  	s8 =	sand.u32 $0x1, s5;
	s6 =	smul.u32 $0x500, s1;
	[smem:$0x7FF] =	sst s4  }
0x9: {  	s5 =	sadd.s32 $0x1A00, s7;
	s11 =	smul.u32 $0xA00, s1;
	s30 =	sshll.u32 s1, $0x1  }
0xa: {  	s31 =	sshll.u32 s1, $0x6;
	s9 =	sshll.u32 s8, $0x7;
	_ =	strace $0x80000047  }
0xb: {  	s10 =	ssub.s32 $0x2, s8;
	s8 =	sor.u32 s8, s30;
	s6 =	sor.u32 s9, s6  }
0xc: {  	s29 =	sshrl.u32 s10, $0x1;
	s11 =	sshrl.u32 s11, $0x2;
	s8 =	smul.u32 $0x3C00, s8  }
0xd: {  	s9 =	sshrl.u32 s6, $0x3;
	s6 =	sadd.s32 $0x10A00, s7;
	s10 =	ssub.s32 s10, s29  }
0xe: {  	s11 =	sadd.s32 s11, s3;
	s9 =	sadd.s32 s9, s7;
	s7 =	sor.u32 $0x1C02, s31  }
0xf: {  	s10 =	smax.u32 s10, $0x1;
	s11 =	sshrl.u32 s11, $0x3;
	s9 =	sadd.s32 $0x10C00, s9  }
.LBB2_1:
0x10: {  	[spmem:s11], [sflag:s7] =	dma.local [hbm:s6], $0x50  }
0x11: {  	_ =	swait.ge [sflag:s12], $0x50  }
0x12: {  	[sflag:s12] =	ssyncset.done $0x0  }
0x13: {  	[sflag:s12] =	ssyncadd.s32 $0xFFFFFFB0  }
0x14: {  	[tilespmem:s13], [sflag:$0x2] =	stream.linear.gather [hbm4b:s2+s4], $0x80, $0x38;
	[tilespmem:$0xF00] =	vst v63  }
0x15: {  	_ =	swait.ge [sflag:s12], $0x80  }
0x16: {  	[sflag:s12] =	ssyncset.done $0x0  }
0x17: {  	[sflag:s12] =	ssyncadd.s32 $0xFFFFFF80  }
0x18: {  	s19 =	simm.s32 $0x0;
	[bflag:$0x0] =	sbarrier.arrive $0xFFFF  }
.LBB2_2:
0x19: {  	s20 =	smul.u32 $0xC00, s19;
	_ =	sdelay $0x1  }
0x1a: {  	s20 =	sadd.s32 s8, s20  }
0x1b: {  	s20 =	sshrl.u32 s20, $0x3  }
0x1c: {  	s22 =	simm.s32 $0x0;
	s21 =	sadd.s32 s5, s20;
	s20 =	simm.s32 $0x280  }
0x1d: {  	[tilespmem:s20], [sflag:$0x2] =	stream.linear.gather [hbm4b:s21+s22], $0xA00, $0x38;
	[tilespmem:$0xF00] =	vst v63  }
0x1e: {  	_ =	swait.ge [sflag:s12], $0xA00  }
0x1f: {  	p0 =	por $0x1, $0x1;
	[sflag:s12] =	ssyncset.done $0x0  }
0x20: {  	s22 =	simm.s32 @!p0 $0x1;
	[sflag:s12] =	ssyncadd.s32 $0xFFFFF600  }
0x21: {  	[spmem:s3] =	stream.indirect.scatter.add.f32 [tilespmem:s13], [sflag:$0x1], $0x1, s20, s14, $0xb8;
	[tilespmem:$0xF00] =	vst v63  }
0x22: {  	_ =	swait.ge @!p0 [sflag:s22], $0x64  }
0x23: {  	s21 =	simm.s32 $0x1;
	[sflag:s22] =	ssyncset.done @!p0 $0x0  }
.LBB2_3:
0x24: {  	[sflag:s22] =	ssyncadd.s32 @!p0 $0xFFFFFF9C  }
0x25: {  	s20 =	sadd.s32 $0x80, s20;
	s22 =	smov.u32 s21;
	s21 =	sadd.s32 $0x1, s21  }
0x26: {  	p1 =	sne.s32 s21, $0x14  }
0x27: {  	[spmem:s3] =	stream.indirect.scatter.add.f32 [tilespmem:s13], [sflag:$0x1], $0x1, s20, s14, $0xb8;
	[tilespmem:$0xF00] =	vst v63  }
.Ltmp0:
0x28: {  	_ = 	snop;
	(pc) =	sbr.rel @p1 .LBB2_3-.Ltmp0, $4  }
0x29: {  	p0 =	slt.u32 s22, $0x8  }
0x2a: {  	s22 =	simm.s32 @!p0 $0x1  }
0x2b: {  	_ =	swait.ge @!p0 [sflag:s22], $0x64  }
0x2c: {  	[sflag:s22] =	ssyncset.done @!p0 $0x0  }
0x2d: {  	[sflag:s22] =	ssyncadd.s32 @!p0 $0xFFFFFF9C  }
0x2e: {  	_ =	swait.ge [sflag:s15], $0x64  }
0x2f: {  	[sflag:s15] =	ssyncset.done $0x0  }
0x30: {  	[sflag:s15] =	ssyncadd.s32 $0xFFFFFF9C  }
0x31: {  	_ =	swait.ge [sflag:s15], $0x64  }
0x32: {  	[sflag:s15] =	ssyncset.done $0x0  }
0x33: {  	[sflag:s15] =	ssyncadd.s32 $0xFFFFFF9C  }
0x34: {  	_ =	swait.ge [sflag:s15], $0x64  }
0x35: {  	[sflag:s15] =	ssyncset.done $0x0  }
0x36: {  	[sflag:s15] =	ssyncadd.s32 $0xFFFFFF9C  }
0x37: {  	_ =	swait.ge [sflag:s15], $0x64  }
0x38: {  	[sflag:s15] =	ssyncset.done $0x0  }
0x39: {  	[sflag:s15] =	ssyncadd.s32 $0xFFFFFF9C  }
0x3a: {  	_ =	swait.ge [sflag:s15], $0x64  }
0x3b: {  	[sflag:s15] =	ssyncset.done $0x0  }
0x3c: {  	[sflag:s15] =	ssyncadd.s32 $0xFFFFFF9C  }
0x3d: {  	_ =	swait.ge [sflag:s15], $0x64  }
0x3e: {  	[sflag:s15] =	ssyncset.done $0x0  }
0x3f: {  	s19 =	sadd.s32 $0x1, s19;
	[sflag:s15] =	ssyncadd.s32 $0xFFFFFF9C  }
0x40: {  	p0 =	sne.s32 s19, $0x5;
	_ =	swait.ge [sflag:s15], $0x64  }
.Ltmp1:
0x41: {  	[sflag:s15] =	ssyncset.done $0x0;
	(pc) =	sbr.rel @p0 .LBB2_2-.Ltmp1, $4  }
0x42: {  	[sflag:s15] =	ssyncadd.s32 $0xFFFFFF9C  }
0x43: {  	_ =	swait.ge [sflag:s15], $0x64  }
0x44: {  	[sflag:s15] =	ssyncset.done $0x0  }
0x45: {  	[sflag:s15] =	ssyncadd.s32 $0xFFFFFF9C  }
0x46: {  	s18 =	sadd.s32 $0x1, s18  }
0x47: {  	p0 =	sne.s32 s18, s10  }
.Ltmp2:
0x48: {  	[bflag:$0x0] =	sbarrier.arrive $0xFFFF;
	(pc) =	sbr.rel @p0 .LBB2_1-.Ltmp2, $4  }
0x49: {  	[hbm:s9@s16], [sflag:s7] =	dma.strided [spmem:s11@s17], $0x50, s15, $0x10   }
0x4a: {  	_ =	swait.ge [sflag:s12], $0x50  }
0x4b: {  	[sflag:s12] =	ssyncset.done $0x0  }
0x4c: {  	[sflag:s12] =	ssyncadd.s32 $0xFFFFFFB0  }
0x4d: {  	_ =	sfence.sel $0x180000  }
0x4e: {  	[bflag:$0x0] =	sbarrier.arrive $0xFFFF  }
0x4f: {  	p0 =	sne.s32 s1, $0x0;
	_ =	strace $0x90000047  }
0x50: {  	s0 =	sadd.s32 @!p0 $0x100000, s0;
	[bflag:$0x2] =	sbarrier.arrive $0xFFFF  }
0x51: {  	[sflag:s0] =	ssyncadd.tile.s32 @!p0 $0x1;
	_ =	shalt  }
.Lfunc_end2:
_tile_overlayer_lowered:
.L_overlay_start_2:
0x52: {  	(tag) =	ssettag $0x2  }
0x53: {  	s0 =	rddreg [dreg:$0x0];
	s2 =	stileid.u32  }
0x54: {  	s1 =	rddreg [dreg:$0x1];
	p0 =	sne.s32 s2, $0x0  }
0x55: {  	s3 =	rddreg [dreg:$0x2];
	[bflag:$0x3] =	sbarrier.arrive $0xFFFF;
	s2 =	simm.s32 @!p0 $0x1C02  }
0x56: {  	[timem:s3], [sflag:s2] =	dma.local @!p0 [hbm:s0], s1  }
0x57: {  	s0 =	simm.s32 @!p0 $0x2  }
0x58: {  	_ =	swait.ge @!p0 [sflag:s0], s1  }
0x59: {  	s1 =	ssub.s32 @!p0 $0x0, s1;
	[sflag:s0] =	ssyncset.done @!p0 $0x0  }
0x5a: {  	[sflag:s0] =	ssyncadd.s32 @!p0 s1  }
0x5b: {  	[bflag:$0x3] =	sbarrier.arrive $0xFFFF  }
0x5c: {  	_ =	shalt  }

</sc_bundles>
